<compile_context>
chip_gen: v7x
topology: tpu7x:2x2x1
jax: 0.10.2.dev20260603
libtpu: 0.0.44.dev20260713+nightly
codegen_flags: <defaults>
</compile_context>

<pallas_src>
import functools

import jax
import jax.numpy as jnp
from jax import lax
from jax.experimental import pallas as pl
from jax.experimental.pallas import tpu as pltpu
from jax.experimental.pallas import tpu_sc as plsc

N = 10000
NPAD = 10112
D_IN = 128
H = 256
HH = 128
OUT = 2
EPS = 1e-5
E = 320000
EPAD = 327680
CH = 128
CPT = EPAD // 16 // CH
NPH = 4
CPP = CPT // NPH
DPT = EPAD // 32 // CH
RING = 2
RB = 1000
NBLK = N // RB
DW = 128

_BN_SCALE = 1.0 / (1.0 + EPS) ** 0.5
_MESH = dict(core_axis_name="c", subcore_axis_name="s")



def _sc_degree(dst2d, ones_rows, zeros_deg):
    mesh = plsc.VectorSubcoreMesh(**_MESH)

    @functools.partial(
        pl.kernel,
        out_type=jax.ShapeDtypeStruct((2 * NPAD, DW), jnp.float32),
        mesh=mesh,
        scratch_types=[
            pltpu.VMEM_SHARED((NPAD, DW), jnp.float32),
            pltpu.VMEM((DPT, CH), jnp.int32),
            pltpu.VMEM((CH, DW), jnp.float32),
            pltpu.SemaphoreType.DMA,
            pltpu.SemaphoreType.DMA,
        ],
    )
    def deg_kernel(dst_hbm, ones_hbm, zeros_hbm, out_hbm,
                   acc, didx, ones_v, sem0, sem1):
        cid = lax.axis_index("c")
        sid = lax.axis_index("s")
        ssem = (sem0, sem1)
        rows = NPAD // 16
        pltpu.sync_copy(zeros_hbm.at[pl.ds(sid * rows, rows)],
                        acc.at[pl.ds(sid * rows, rows)])
        tile = cid * 16 + sid
        pltpu.sync_copy(dst_hbm.at[pl.ds(tile * DPT, DPT)], didx)
        pltpu.sync_copy(ones_hbm, ones_v)
        plsc.subcore_barrier()

        @pl.loop(0, DPT // 2)
        def _(q):
            for b in range(2):
                j = 2 * q + b

                @pl.when(q > 0)
                def _():
                    pltpu.make_async_copy(ones_v, acc.at[didx.at[j]],
                                          ssem[b]).wait()

                pltpu.async_copy(ones_v, acc.at[didx.at[j]], ssem[b], add=True)

        for b in range(2):
            pltpu.make_async_copy(ones_v, acc.at[didx.at[DPT - 2 + b]],
                                  ssem[b]).wait()
        plsc.subcore_barrier()
        pltpu.sync_copy(acc.at[pl.ds(sid * rows, rows)],
                        out_hbm.at[pl.ds(cid * NPAD + sid * rows, rows)])

    return deg_kernel(dst2d, ones_rows, zeros_deg)


def _sc_segsum(y2d, src2d, dst2d, zeros_half):
    mesh = plsc.VectorSubcoreMesh(**_MESH)

    @functools.partial(
        pl.kernel,
        out_type=jax.ShapeDtypeStruct((2 * NPAD, HH), jnp.float32),
        mesh=mesh,
        scratch_types=[
            pltpu.VMEM_SHARED((NPAD, HH), jnp.float32),
            pltpu.VMEM((CPP, CH), jnp.int32),
            pltpu.VMEM((CPP, CH), jnp.int32),
        ] + [pltpu.VMEM((CH, HH), jnp.float32)] * RING
          + [pltpu.SemaphoreType.DMA] * (2 * RING),
    )
    def seg_kernel(y_hbm, src_hbm, dst_hbm, zeros_hbm, out_hbm,
                   acc, sidx, didx, *bufs_and_sems):
        rbuf = bufs_and_sems[:RING]
        gsem = bufs_and_sems[RING:2 * RING]
        ssem = bufs_and_sems[2 * RING:]
        cid = lax.axis_index("c")
        sid = lax.axis_index("s")
        rows = NPAD // 16
        pltpu.sync_copy(zeros_hbm.at[pl.ds(sid * rows, rows)],
                        acc.at[pl.ds(sid * rows, rows)])
        plsc.subcore_barrier()

        @pl.loop(0, NPH)
        def _(p):
            base = (cid * 16 + sid) * CPT + p * CPP
            pltpu.sync_copy(src_hbm.at[pl.ds(base, CPP)], sidx)
            pltpu.sync_copy(dst_hbm.at[pl.ds(sid * CPT + p * CPP, CPP)], didx)
            for b in range(RING):
                pltpu.async_copy(y_hbm.at[sidx.at[b]], rbuf[b], gsem[b])

            @pl.loop(0, CPP // RING)
            def _(q):
                j = q * RING
                for b in range(RING):
                    pltpu.make_async_copy(y_hbm.at[sidx.at[j + b]], rbuf[b],
                                          gsem[b]).wait()
                    pltpu.async_copy(rbuf[b], acc.at[didx.at[j + b]], ssem[b],
                                     add=True)
                for b in range(RING):
                    pltpu.make_async_copy(rbuf[b], acc.at[didx.at[j + b]],
                                          ssem[b]).wait()

                    @pl.when(q < CPP // RING - 1)
                    def _():
                        pltpu.async_copy(y_hbm.at[sidx.at[j + RING + b]],
                                         rbuf[b], gsem[b])

        plsc.subcore_barrier()
        pltpu.sync_copy(acc.at[pl.ds(sid * rows, rows)],
                        out_hbm.at[pl.ds(cid * NPAD + sid * rows, rows)])

    return seg_kernel(y2d, src2d, dst2d, zeros_half)



def _dinv_col(deg_ref):
    deg = deg_ref[0][:, 0:1] + deg_ref[1][:, 0:1] + 1.0
    return lax.rsqrt(deg)


_DEG_SPEC = pl.BlockSpec((2, RB, DW), lambda i: (0, i, 0))
_VEC_SPEC = pl.BlockSpec((1, H), lambda i: (0, 0))
_HALF_SPEC = pl.BlockSpec((2, RB, HH), lambda i: (0, i, 0))
_ROW_SPEC = pl.BlockSpec((RB, H), lambda i: (i, 0))


def _tc_h_body(x_ref, w_ref, b_ref, h_ref):
    h = jnp.dot(x_ref[...], w_ref[...], preferred_element_type=jnp.float32)
    h_ref[...] = jnp.maximum(h + b_ref[...], 0.0)


def _tc_h(x, W_in, b_in):
    return pl.pallas_call(
        _tc_h_body,
        grid=(NBLK,),
        in_specs=[
            pl.BlockSpec((RB, D_IN), lambda i: (i, 0)),
            pl.BlockSpec((D_IN, H), lambda i: (0, 0)),
            _VEC_SPEC,
        ],
        out_specs=_ROW_SPEC,
        out_shape=jax.ShapeDtypeStruct((N, H), jnp.float32),
    )(x, W_in, b_in)


def _tc_y_body(h_ref, wc_ref, deg_ref, y_ref):
    dinv = _dinv_col(deg_ref)
    y = jnp.dot(h_ref[...], wc_ref[...], preferred_element_type=jnp.float32)
    y = y * dinv
    y_ref[0] = y[:, :HH]
    y_ref[1] = y[:, HH:]


def _tc_y(h, Wc, deg2):
    return pl.pallas_call(
        _tc_y_body,
        grid=(NBLK,),
        in_specs=[_ROW_SPEC, pl.BlockSpec((H, H), lambda i: (0, 0)), _DEG_SPEC],
        out_specs=_HALF_SPEC,
        out_shape=jax.ShapeDtypeStruct((2, N, HH), jnp.float32),
    )(h, Wc, deg2)


def _residual_update(h_ref, y_ref, s_ref, deg_ref, bc_ref, g_ref, bt_ref):
    dinv = _dinv_col(deg_ref)
    yf = jnp.concatenate([y_ref[0], y_ref[1]], axis=1)
    sf = jnp.concatenate([s_ref[0], s_ref[1]], axis=1)
    hn = dinv * (sf + yf) + bc_ref[...]
    hn = hn * (g_ref[...] * _BN_SCALE) + bt_ref[...]
    return h_ref[...] + jnp.maximum(hn, 0.0), dinv


def _tc_mid_body(h_ref, y_ref, s_ref, deg_ref, bc_ref, g_ref, bt_ref, wc_ref,
                 h_out, y_out):
    hnew, dinv = _residual_update(h_ref, y_ref, s_ref, deg_ref, bc_ref, g_ref,
                                  bt_ref)
    h_out[...] = hnew
    yn = jnp.dot(hnew, wc_ref[...], preferred_element_type=jnp.float32) * dinv
    y_out[0] = yn[:, :HH]
    y_out[1] = yn[:, HH:]


def _tc_mid(h, y, s, deg2, bc, g, bt, Wc_next):
    return pl.pallas_call(
        _tc_mid_body,
        grid=(NBLK,),
        in_specs=[
            _ROW_SPEC, _HALF_SPEC, _HALF_SPEC, _DEG_SPEC,
            _VEC_SPEC, _VEC_SPEC, _VEC_SPEC,
            pl.BlockSpec((H, H), lambda i: (0, 0)),
        ],
        out_specs=[_ROW_SPEC, _HALF_SPEC],
        out_shape=[
            jax.ShapeDtypeStruct((N, H), jnp.float32),
            jax.ShapeDtypeStruct((2, N, HH), jnp.float32),
        ],
    )(h, y, s, deg2, bc, g, bt, Wc_next)


def _tc_last_body(h_ref, y_ref, s_ref, deg_ref, bc_ref, g_ref, bt_ref,
                  wo1_ref, bo1_ref, wo2_ref, bo2_ref, out_ref):
    hnew, _ = _residual_update(h_ref, y_ref, s_ref, deg_ref, bc_ref, g_ref,
                               bt_ref)
    o = jnp.dot(hnew, wo1_ref[...], preferred_element_type=jnp.float32)
    o = jnp.maximum(o + bo1_ref[...], 0.0)
    out_ref[...] = (jnp.dot(o, wo2_ref[...], preferred_element_type=jnp.float32)
                    + bo2_ref[...])


def _tc_last(h, y, s, deg2, bc, g, bt, Wo1, bo1, Wo2, bo2):
    return pl.pallas_call(
        _tc_last_body,
        grid=(NBLK,),
        in_specs=[
            _ROW_SPEC, _HALF_SPEC, _HALF_SPEC, _DEG_SPEC,
            _VEC_SPEC, _VEC_SPEC, _VEC_SPEC,
            pl.BlockSpec((H, H // 2), lambda i: (0, 0)),
            pl.BlockSpec((1, H // 2), lambda i: (0, 0)),
            pl.BlockSpec((H // 2, OUT), lambda i: (0, 0)),
            pl.BlockSpec((1, OUT), lambda i: (0, 0)),
        ],
        out_specs=pl.BlockSpec((RB, OUT), lambda i: (i, 0)),
        out_shape=jax.ShapeDtypeStruct((N, OUT), jnp.float32),
    )(h, y, s, deg2, bc, g, bt, Wo1, bo1, Wo2, bo2)



def kernel(x, edge_index, W_in, b_in, Wc1, bc1, g1, bt1, Wc2, bc2, g2, bt2,
           Wc3, bc3, g3, bt3, Wo1, bo1, Wo2, bo2):
    src = edge_index[0].astype(jnp.int32)
    dst = edge_index[1].astype(jnp.int32)
    pad = EPAD - E
    src_p = jnp.concatenate([src, jnp.zeros((pad,), jnp.int32)])
    dst_p = jnp.concatenate([dst, jnp.full((pad,), N, jnp.int32)])
    src2d = jnp.concatenate([src_p, src_p + N]).reshape(2 * EPAD // CH, CH)
    dst2d = dst_p.reshape(EPAD // CH, CH)

    ones_rows = jnp.ones((CH, DW), jnp.float32)
    zeros_deg = jnp.zeros((NPAD, DW), jnp.float32)
    zeros_half = jnp.zeros((NPAD, HH), jnp.float32)

    r = lambda v: v.reshape(1, -1)

    deg2 = _sc_degree(dst2d, ones_rows, zeros_deg).reshape(2, NPAD, DW)
    h = _tc_h(x, W_in, r(b_in))
    y1 = _tc_y(h, Wc1, deg2)
    s1 = _sc_segsum(y1.reshape(2 * N, HH), src2d, dst2d,
                    zeros_half).reshape(2, NPAD, HH)
    h, y2 = _tc_mid(h, y1, s1, deg2, r(bc1), r(g1), r(bt1), Wc2)
    s2 = _sc_segsum(y2.reshape(2 * N, HH), src2d, dst2d,
                    zeros_half).reshape(2, NPAD, HH)
    h, y3 = _tc_mid(h, y2, s2, deg2, r(bc2), r(g2), r(bt2), Wc3)
    s3 = _sc_segsum(y3.reshape(2 * N, HH), src2d, dst2d,
                    zeros_half).reshape(2, NPAD, HH)
    return _tc_last(h, y3, s3, deg2, r(bc3), r(g3), r(bt3),
                    Wo1, r(bo1), Wo2, r(bo2))

# --- scband reference (transcript-rebuilt; emitter-appended) ---
"""Pipeline reference for scband-graph-neural-network-87771951661222 (READ-ONLY COPY).

The authoritative reference and input builder live on the scoring server;
editing this copy changes nothing except your own understanding.
"""

import jax, jax.numpy as jnp
import numpy as np

N = 10000
E = 320000
D_IN = 128
H = 256
OUT = 2
EPS = 1e-5


def setup_inputs(seed: int = 0) -> dict:
    key = jax.random.key(seed)
    ks = jax.random.split(key, 32)
    inp = {}
    inp['x'] = jax.random.normal(ks[0], (N, D_IN), dtype=jnp.float32)
    inp['edge_index'] = jax.random.randint(ks[1], (2, E), 0, N)
    def lin(k, fi, fo):
        return jax.random.normal(k, (fi, fo), dtype=jnp.float32) * (1.0 / np.sqrt(fi))
    inp['W_in'] = lin(ks[2], D_IN, H)
    inp['b_in'] = jnp.zeros((H,), jnp.float32)
    for i in range(3):
        inp[f'Wc{i+1}'] = lin(ks[3 + i], H, H)
        inp[f'bc{i+1}'] = jnp.zeros((H,), jnp.float32)
        inp[f'g{i+1}'] = jnp.ones((H,), jnp.float32)
        inp[f'bt{i+1}'] = jnp.zeros((H,), jnp.float32)
    inp['Wo1'] = lin(ks[10], H, H // 2)
    inp['bo1'] = jnp.zeros((H // 2,), jnp.float32)
    inp['Wo2'] = lin(ks[11], H // 2, OUT)
    inp['bo2'] = jnp.zeros((OUT,), jnp.float32)
    return inp


def _gcn_conv(x, src, dst, W, b):
    # PyG GCNConv semantics: x' = D^{-1/2} (A + I) D^{-1/2} (x W) + b
    xw = x @ W
    deg = jnp.zeros((N,), xw.dtype).at[dst].add(1.0) + 1.0  # +1 for self loop
    dinv = 1.0 / jnp.sqrt(deg)
    norm = dinv[src] * dinv[dst]
    msg = xw[src] * norm[:, None]
    agg = jnp.zeros_like(xw).at[dst].add(msg)
    agg = agg + xw * (dinv * dinv)[:, None]  # self-loop messages
    return agg + b


def _bn_eval(x, gamma, beta):
    # eval-mode BatchNorm1d with running_mean=0, running_var=1
    return (x / jnp.sqrt(1.0 + EPS)) * gamma + beta


def reference(x, edge_index, W_in, b_in, Wc1, bc1, g1, bt1, Wc2, bc2, g2, bt2, Wc3, bc3, g3, bt3, Wo1, bo1, Wo2, bo2):
    src = edge_index[0]
    dst = edge_index[1]
    h = jax.nn.relu(x @ W_in + b_in)
    for (Wc, bc, g, bt) in ((Wc1, bc1, g1, bt1), (Wc2, bc2, g2, bt2), (Wc3, bc3, g3, bt3)):
        hn = _gcn_conv(h, src, dst, Wc, bc)
        hn = _bn_eval(hn, g, bt)
        hn = jax.nn.relu(hn)
        h = h + hn  # residual (shapes match)
    o = jax.nn.relu(h @ Wo1 + bo1)
    out = o @ Wo2 + bo2
    return out

if __name__ == "__main__":
    import jax
    _d = setup_inputs()
    print(jax.jit(kernel)(*tuple(_d.values())))

</pallas_src>

<mosaic_0001>
#map = affine_map<(d0, d1) -> (0, 0)>
module attributes {stable_mosaic.version = 14 : i64} {
  func.func @seg_kernel(%arg0: i32, %arg1: i32, %arg2: memref<20000x128xf32, #tpu.memory_space<hbm>>, %arg3: memref<5120x128xi32, #tpu.memory_space<hbm>>, %arg4: memref<2560x128xi32, #tpu.memory_space<hbm>>, %arg5: memref<10112x128xf32, #tpu.memory_space<hbm>>, %arg6: memref<20224x128xf32, #tpu.memory_space<hbm>>, %arg7: memref<10112x128xf32, #tpu.memory_space<vmem_shared>>, %arg8: memref<40x128xi32, #tpu.memory_space<vmem>>, %arg9: memref<40x128xi32, #tpu.memory_space<vmem>>, %arg10: memref<128x128xf32, #tpu.memory_space<vmem>>, %arg11: memref<128x128xf32, #tpu.memory_space<vmem>>, %arg12: memref<!tpu.dma_semaphore, #tpu.memory_space<semaphore_mem>>, %arg13: memref<!tpu.dma_semaphore, #tpu.memory_space<semaphore_mem>>, %arg14: memref<!tpu.dma_semaphore, #tpu.memory_space<semaphore_mem>>, %arg15: memref<!tpu.dma_semaphore, #tpu.memory_space<semaphore_mem>>) attributes {dimension_semantics = [#tpu.dimension_semantics<core_parallel>, #tpu.dimension_semantics<subcore_parallel>], iteration_bounds = array<i64: 2, 16>, scalar_prefetch = 0 : i64, scratch_operands = 9 : i64, tpu.core_type = #tpu.core_type<sc_vector_subcore>, window_params = [{transform_indices = #map}, {transform_indices = #map}, {transform_indices = #map}, {transform_indices = #map}, {transform_indices = #map}]} {
    %mul3A = arith.constant 632 : i32
    %mul3A_0 = arith.muli %arg1, %mul3A : i32
    %mul3A_1 = arith.constant 632 : i32
    %mul3A_2 = arith.muli %arg1, %mul3A_1 : i32
    "tpu.region"() ({
      %run_scoped3A = tpu.sem_alloc : memref<!tpu.dma_semaphore, #tpu.memory_space<semaphore_mem>>
      %dma_start3A = arith.constant 0 : i32
      %dma_start3A_14 = tpu.memref_slice %arg7[%mul3A_2, %dma_start3A] : memref<10112x128xf32, #tpu.memory_space<vmem_shared>> -> memref<632x128xf32, #tpu.memory_space<vmem_shared>>
      %dma_start3A_15 = arith.constant 0 : i32
      %dma_start3A_16 = tpu.memref_slice %arg5[%mul3A_0, %dma_start3A_15] : memref<10112x128xf32, #tpu.memory_space<hbm>> -> memref<632x128xf32, #tpu.memory_space<hbm>>
      tpu.enqueue_dma source(%dma_start3A_16 : memref<632x128xf32, #tpu.memory_space<hbm>>) target(%dma_start3A_14 : memref<632x128xf32, #tpu.memory_space<vmem_shared>>) target_semaphore(%run_scoped3A : memref<!tpu.dma_semaphore, #tpu.memory_space<semaphore_mem>>)
      %dma_wait3A = arith.constant 0 : i32
      %dma_wait3A_17 = tpu.memref_slice %arg7[%mul3A_2, %dma_wait3A] : memref<10112x128xf32, #tpu.memory_space<vmem_shared>> -> memref<632x128xf32, #tpu.memory_space<vmem_shared>>
      %dma_wait3A_18 = arith.constant 0 : i32
      %dma_wait3A_19 = tpu.memref_slice %arg5[%mul3A_0, %dma_wait3A_18] : memref<10112x128xf32, #tpu.memory_space<hbm>> -> memref<632x128xf32, #tpu.memory_space<hbm>>
      tpu.wait_dma2 semaphore(%run_scoped3A : memref<!tpu.dma_semaphore, #tpu.memory_space<semaphore_mem>>) src(%dma_wait3A_19 : memref<632x128xf32, #tpu.memory_space<hbm>>) dst(%dma_wait3A_17 : memref<632x128xf32, #tpu.memory_space<vmem_shared>>)
      tpu.yield
    }) : () -> ()
    %barrier3A = arith.constant 0 : index
    tpu.barrier barrier_id(%barrier3A)
    %scan3A = arith.constant 0 : i32
    %scan3A_3 = arith.constant 4 : i32
    %scan3A_4 = arith.addi %scan3A, %scan3A_3 : i32
    %scan3A_5 = arith.constant 1 : i32
    scf.for %scan3A_14 = %scan3A to %scan3A_4 step %scan3A_5  : i32 {
      %mul3A_15 = arith.constant 1 : i32
      %mul3A_16 = arith.muli %scan3A_14, %mul3A_15 : i32
      %add3A_17 = arith.constant 0 : i32
      %add3A_18 = arith.addi %add3A_17, %mul3A_16 : i32
      %mul3A_19 = arith.constant 16 : i32
      %mul3A_20 = arith.muli %arg0, %mul3A_19 : i32
      %add3A_21 = arith.addi %mul3A_20, %arg1 : i32
      %mul3A_22 = arith.constant 160 : i32
      %mul3A_23 = arith.muli %add3A_21, %mul3A_22 : i32
      %mul3A_24 = arith.constant 40 : i32
      %mul3A_25 = arith.muli %add3A_18, %mul3A_24 : i32
      %add3A_26 = arith.addi %mul3A_23, %mul3A_25 : i32
      "tpu.region"() ({
        %run_scoped3A = tpu.sem_alloc : memref<!tpu.dma_semaphore, #tpu.memory_space<semaphore_mem>>
        %dma_start3A_50 = arith.constant 0 : i32
        %dma_start3A_51 = tpu.memref_slice %arg3[%add3A_26, %dma_start3A_50] : memref<5120x128xi32, #tpu.memory_space<hbm>> -> memref<40x128xi32, #tpu.memory_space<hbm>>
        %dma_start3A_52 = arith.constant 0 : i32
        %dma_start3A_53 = tpu.memref_slice %arg3[%add3A_26, %dma_start3A_52] : memref<5120x128xi32, #tpu.memory_space<hbm>> -> memref<40x128xi32, #tpu.memory_space<hbm>>
        tpu.enqueue_dma source(%dma_start3A_53 : memref<40x128xi32, #tpu.memory_space<hbm>>) target(%arg8 : memref<40x128xi32, #tpu.memory_space<vmem>>) target_semaphore(%run_scoped3A : memref<!tpu.dma_semaphore, #tpu.memory_space<semaphore_mem>>)
        %dma_wait3A = arith.constant 0 : i32
        %dma_wait3A_54 = tpu.memref_slice %arg3[%add3A_26, %dma_wait3A] : memref<5120x128xi32, #tpu.memory_space<hbm>> -> memref<40x128xi32, #tpu.memory_space<hbm>>
        %dma_wait3A_55 = arith.constant 0 : i32
        %dma_wait3A_56 = tpu.memref_slice %arg3[%add3A_26, %dma_wait3A_55] : memref<5120x128xi32, #tpu.memory_space<hbm>> -> memref<40x128xi32, #tpu.memory_space<hbm>>
        tpu.wait_dma2 semaphore(%run_scoped3A : memref<!tpu.dma_semaphore, #tpu.memory_space<semaphore_mem>>) src(%dma_wait3A_56 : memref<40x128xi32, #tpu.memory_space<hbm>>) dst(%arg8 : memref<40x128xi32, #tpu.memory_space<vmem>>)
        tpu.yield
      }) : () -> ()
      %mul3A_27 = arith.constant 160 : i32
      %mul3A_28 = arith.muli %arg1, %mul3A_27 : i32
      %mul3A_29 = arith.constant 40 : i32
      %mul3A_30 = arith.muli %add3A_18, %mul3A_29 : i32
      %add3A_31 = arith.addi %mul3A_28, %mul3A_30 : i32
      "tpu.region"() ({
        %run_scoped3A = tpu.sem_alloc : memref<!tpu.dma_semaphore, #tpu.memory_space<semaphore_mem>>
        %dma_start3A_50 = arith.constant 0 : i32
        %dma_start3A_51 = tpu.memref_slice %arg4[%add3A_31, %dma_start3A_50] : memref<2560x128xi32, #tpu.memory_space<hbm>> -> memref<40x128xi32, #tpu.memory_space<hbm>>
        %dma_start3A_52 = arith.constant 0 : i32
        %dma_start3A_53 = tpu.memref_slice %arg4[%add3A_31, %dma_start3A_52] : memref<2560x128xi32, #tpu.memory_space<hbm>> -> memref<40x128xi32, #tpu.memory_space<hbm>>
        tpu.enqueue_dma source(%dma_start3A_53 : memref<40x128xi32, #tpu.memory_space<hbm>>) target(%arg9 : memref<40x128xi32, #tpu.memory_space<vmem>>) target_semaphore(%run_scoped3A : memref<!tpu.dma_semaphore, #tpu.memory_space<semaphore_mem>>)
        %dma_wait3A = arith.constant 0 : i32
        %dma_wait3A_54 = tpu.memref_slice %arg4[%add3A_31, %dma_wait3A] : memref<2560x128xi32, #tpu.memory_space<hbm>> -> memref<40x128xi32, #tpu.memory_space<hbm>>
        %dma_wait3A_55 = arith.constant 0 : i32
        %dma_wait3A_56 = tpu.memref_slice %arg4[%add3A_31, %dma_wait3A_55] : memref<2560x128xi32, #tpu.memory_space<hbm>> -> memref<40x128xi32, #tpu.memory_space<hbm>>
        tpu.wait_dma2 semaphore(%run_scoped3A : memref<!tpu.dma_semaphore, #tpu.memory_space<semaphore_mem>>) src(%dma_wait3A_56 : memref<40x128xi32, #tpu.memory_space<hbm>>) dst(%arg9 : memref<40x128xi32, #tpu.memory_space<vmem>>)
        tpu.yield
      }) : () -> ()
      %dma_start3A = arith.constant 0 : i32
      %dma_start3A_32 = arith.constant 0 : i32
      %dma_start3A_33 = tpu.memref_slice %arg8[%dma_start3A, %dma_start3A_32] : memref<40x128xi32, #tpu.memory_space<vmem>> -> memref<1x128xi32, #tpu.memory_space<vmem>>
      %dma_start3A_34 = tpu.memref_squeeze %dma_start3A_33 : memref<1x128xi32, #tpu.memory_space<vmem>> -> memref<128xi32, #tpu.memory_space<vmem>>
      %dma_start3A_35 = arith.constant 0 : i32
      %dma_start3A_36 = arith.constant 0 : i32
      %dma_start3A_37 = tpu.memref_slice %arg2[%dma_start3A_35, %dma_start3A_36] : memref<20000x128xf32, #tpu.memory_space<hbm>> -> memref<20000x128xf32, #tpu.memory_space<hbm>>
      tpu.enqueue_indirect_dma source(%dma_start3A_37 : memref<20000x128xf32, #tpu.memory_space<hbm>>) target(%arg10 : memref<128x128xf32, #tpu.memory_space<vmem>>) offsets(%dma_start3A_34 : memref<128xi32, #tpu.memory_space<vmem>>) semaphore(%arg12 : memref<!tpu.dma_semaphore, #tpu.memory_space<semaphore_mem>>)
      %dma_start3A_38 = arith.constant 1 : i32
      %dma_start3A_39 = arith.constant 0 : i32
      %dma_start3A_40 = tpu.memref_slice %arg8[%dma_start3A_38, %dma_start3A_39] : memref<40x128xi32, #tpu.memory_space<vmem>> -> memref<1x128xi32, #tpu.memory_space<vmem>>
      %dma_start3A_41 = tpu.memref_squeeze %dma_start3A_40 : memref<1x128xi32, #tpu.memory_space<vmem>> -> memref<128xi32, #tpu.memory_space<vmem>>
      %dma_start3A_42 = arith.constant 0 : i32
      %dma_start3A_43 = arith.constant 0 : i32
      %dma_start3A_44 = tpu.memref_slice %arg2[%dma_start3A_42, %dma_start3A_43] : memref<20000x128xf32, #tpu.memory_space<hbm>> -> memref<20000x128xf32, #tpu.memory_space<hbm>>
      tpu.enqueue_indirect_dma source(%dma_start3A_44 : memref<20000x128xf32, #tpu.memory_space<hbm>>) target(%arg11 : memref<128x128xf32, #tpu.memory_space<vmem>>) offsets(%dma_start3A_41 : memref<128xi32, #tpu.memory_space<vmem>>) semaphore(%arg13 : memref<!tpu.dma_semaphore, #tpu.memory_space<semaphore_mem>>)
      %scan3A_45 = arith.constant 0 : i32
      %scan3A_46 = arith.constant 20 : i32
      %scan3A_47 = arith.addi %scan3A_45, %scan3A_46 : i32
      %scan3A_48 = arith.constant 1 : i32
      scf.for %scan3A_50 = %scan3A_45 to %scan3A_47 step %scan3A_48  : i32 {
        %mul3A_51 = arith.constant 1 : i32
        %mul3A_52 = arith.muli %scan3A_50, %mul3A_51 : i32
        %add3A_53 = arith.constant 0 : i32
        %add3A_54 = arith.addi %add3A_53, %mul3A_52 : i32
        %mul3A_55 = arith.constant 2 : i32
        %mul3A_56 = arith.muli %add3A_54, %mul3A_55 : i32
        %add3A_57 = arith.constant 0 : i32
        %add3A_58 = arith.addi %mul3A_56, %add3A_57 : i32
        %dma_wait3A = arith.constant 0 : i32
        %dma_wait3A_59 = tpu.memref_slice %arg8[%add3A_58, %dma_wait3A] : memref<40x128xi32, #tpu.memory_space<vmem>> -> memref<1x128xi32, #tpu.memory_space<vmem>>
        %dma_wait3A_60 = tpu.memref_squeeze %dma_wait3A_59 : memref<1x128xi32, #tpu.memory_space<vmem>> -> memref<128xi32, #tpu.memory_space<vmem>>
        %dma_wait3A_61 = arith.constant 0 : i32
        %dma_wait3A_62 = arith.constant 0 : i32
        %dma_wait3A_63 = tpu.memref_slice %arg2[%dma_wait3A_61, %dma_wait3A_62] : memref<20000x128xf32, #tpu.memory_space<hbm>> -> memref<20000x128xf32, #tpu.memory_space<hbm>>
        tpu.wait_indirect_dma semaphore(%arg12 : memref<!tpu.dma_semaphore, #tpu.memory_space<semaphore_mem>>) src(%dma_wait3A_63 : memref<20000x128xf32, #tpu.memory_space<hbm>>) dst(%arg10 : memref<128x128xf32, #tpu.memory_space<vmem>>)
        %add3A_64 = arith.constant 0 : i32
        %add3A_65 = arith.addi %mul3A_56, %add3A_64 : i32
        %dma_start3A_66 = arith.constant 0 : i32
        %dma_start3A_67 = tpu.memref_slice %arg9[%add3A_65, %dma_start3A_66] : memref<40x128xi32, #tpu.memory_space<vmem>> -> memref<1x128xi32, #tpu.memory_space<vmem>>
        %dma_start3A_68 = tpu.memref_squeeze %dma_start3A_67 : memref<1x128xi32, #tpu.memory_space<vmem>> -> memref<128xi32, #tpu.memory_space<vmem>>
        %dma_start3A_69 = arith.constant 0 : i32
        %dma_start3A_70 = arith.constant 0 : i32
        %dma_start3A_71 = tpu.memref_slice %arg7[%dma_start3A_69, %dma_start3A_70] : memref<10112x128xf32, #tpu.memory_space<vmem_shared>> -> memref<10112x128xf32, #tpu.memory_space<vmem_shared>>
        tpu.enqueue_indirect_dma source(%arg10 : memref<128x128xf32, #tpu.memory_space<vmem>>) target(%dma_start3A_71 : memref<10112x128xf32, #tpu.memory_space<vmem_shared>>) offsets(%dma_start3A_68 : memref<128xi32, #tpu.memory_space<vmem>>) semaphore(%arg14 : memref<!tpu.dma_semaphore, #tpu.memory_space<semaphore_mem>>) {add = true}
        %add3A_72 = arith.constant 1 : i32
        %add3A_73 = arith.addi %mul3A_56, %add3A_72 : i32
        %dma_wait3A_74 = arith.constant 0 : i32
        %dma_wait3A_75 = tpu.memref_slice %arg8[%add3A_73, %dma_wait3A_74] : memref<40x128xi32, #tpu.memory_space<vmem>> -> memref<1x128xi32, #tpu.memory_space<vmem>>
        %dma_wait3A_76 = tpu.memref_squeeze %dma_wait3A_75 : memref<1x128xi32, #tpu.memory_space<vmem>> -> memref<128xi32, #tpu.memory_space<vmem>>
        %dma_wait3A_77 = arith.constant 0 : i32
        %dma_wait3A_78 = arith.constant 0 : i32
        %dma_wait3A_79 = tpu.memref_slice %arg2[%dma_wait3A_77, %dma_wait3A_78] : memref<20000x128xf32, #tpu.memory_space<hbm>> -> memref<20000x128xf32, #tpu.memory_space<hbm>>
        tpu.wait_indirect_dma semaphore(%arg13 : memref<!tpu.dma_semaphore, #tpu.memory_space<semaphore_mem>>) src(%dma_wait3A_79 : memref<20000x128xf32, #tpu.memory_space<hbm>>) dst(%arg11 : memref<128x128xf32, #tpu.memory_space<vmem>>)
        %add3A_80 = arith.constant 1 : i32
        %add3A_81 = arith.addi %mul3A_56, %add3A_80 : i32
        %dma_start3A_82 = arith.constant 0 : i32
        %dma_start3A_83 = tpu.memref_slice %arg9[%add3A_81, %dma_start3A_82] : memref<40x128xi32, #tpu.memory_space<vmem>> -> memref<1x128xi32, #tpu.memory_space<vmem>>
        %dma_start3A_84 = tpu.memref_squeeze %dma_start3A_83 : memref<1x128xi32, #tpu.memory_space<vmem>> -> memref<128xi32, #tpu.memory_space<vmem>>
        %dma_start3A_85 = arith.constant 0 : i32
        %dma_start3A_86 = arith.constant 0 : i32
        %dma_start3A_87 = tpu.memref_slice %arg7[%dma_start3A_85, %dma_start3A_86] : memref<10112x128xf32, #tpu.memory_space<vmem_shared>> -> memref<10112x128xf32, #tpu.memory_space<vmem_shared>>
        tpu.enqueue_indirect_dma source(%arg11 : memref<128x128xf32, #tpu.memory_space<vmem>>) target(%dma_start3A_87 : memref<10112x128xf32, #tpu.memory_space<vmem_shared>>) offsets(%dma_start3A_84 : memref<128xi32, #tpu.memory_space<vmem>>) semaphore(%arg15 : memref<!tpu.dma_semaphore, #tpu.memory_space<semaphore_mem>>) {add = true}
        %add3A_88 = arith.constant 0 : i32
        %add3A_89 = arith.addi %mul3A_56, %add3A_88 : i32
        %dma_wait3A_90 = arith.constant 0 : i32
        %dma_wait3A_91 = tpu.memref_slice %arg9[%add3A_89, %dma_wait3A_90] : memref<40x128xi32, #tpu.memory_space<vmem>> -> memref<1x128xi32, #tpu.memory_space<vmem>>
        %dma_wait3A_92 = tpu.memref_squeeze %dma_wait3A_91 : memref<1x128xi32, #tpu.memory_space<vmem>> -> memref<128xi32, #tpu.memory_space<vmem>>
        %dma_wait3A_93 = arith.constant 0 : i32
        %dma_wait3A_94 = arith.constant 0 : i32
        %dma_wait3A_95 = tpu.memref_slice %arg7[%dma_wait3A_93, %dma_wait3A_94] : memref<10112x128xf32, #tpu.memory_space<vmem_shared>> -> memref<10112x128xf32, #tpu.memory_space<vmem_shared>>
        tpu.wait_indirect_dma semaphore(%arg14 : memref<!tpu.dma_semaphore, #tpu.memory_space<semaphore_mem>>) src(%arg10 : memref<128x128xf32, #tpu.memory_space<vmem>>) dst(%dma_wait3A_95 : memref<10112x128xf32, #tpu.memory_space<vmem_shared>>)
        %lt3A = arith.constant 19 : i32
        %lt3A_96 = arith.cmpi slt, %add3A_54, %lt3A : i32
        %convert_element_type3A = arith.extui %lt3A_96 : i1 to i32
        %cond3A = arith.constant 0 : i32
        %cond3A_97 = arith.cmpi ne, %convert_element_type3A, %cond3A : i32
        scf.if %cond3A_97 {
          %add3A_111 = arith.constant 2 : i32
          %add3A_112 = arith.addi %mul3A_56, %add3A_111 : i32
          %add3A_113 = arith.constant 0 : i32
          %add3A_114 = arith.addi %add3A_112, %add3A_113 : i32
          %dma_start3A_115 = arith.constant 0 : i32
          %dma_start3A_116 = tpu.memref_slice %arg8[%add3A_114, %dma_start3A_115] : memref<40x128xi32, #tpu.memory_space<vmem>> -> memref<1x128xi32, #tpu.memory_space<vmem>>
          %dma_start3A_117 = tpu.memref_squeeze %dma_start3A_116 : memref<1x128xi32, #tpu.memory_space<vmem>> -> memref<128xi32, #tpu.memory_space<vmem>>
          %dma_start3A_118 = arith.constant 0 : i32
          %dma_start3A_119 = arith.constant 0 : i32
          %dma_start3A_120 = tpu.memref_slice %arg2[%dma_start3A_118, %dma_start3A_119] : memref<20000x128xf32, #tpu.memory_space<hbm>> -> memref<20000x128xf32, #tpu.memory_space<hbm>>
          tpu.enqueue_indirect_dma source(%dma_start3A_120 : memref<20000x128xf32, #tpu.memory_space<hbm>>) target(%arg10 : memref<128x128xf32, #tpu.memory_space<vmem>>) offsets(%dma_start3A_117 : memref<128xi32, #tpu.memory_space<vmem>>) semaphore(%arg12 : memref<!tpu.dma_semaphore, #tpu.memory_space<semaphore_mem>>)
        } else {
        }
        %add3A_98 = arith.constant 1 : i32
        %add3A_99 = arith.addi %mul3A_56, %add3A_98 : i32
        %dma_wait3A_100 = arith.constant 0 : i32
        %dma_wait3A_101 = tpu.memref_slice %arg9[%add3A_99, %dma_wait3A_100] : memref<40x128xi32, #tpu.memory_space<vmem>> -> memref<1x128xi32, #tpu.memory_space<vmem>>
        %dma_wait3A_102 = tpu.memref_squeeze %dma_wait3A_101 : memref<1x128xi32, #tpu.memory_space<vmem>> -> memref<128xi32, #tpu.memory_space<vmem>>
        %dma_wait3A_103 = arith.constant 0 : i32
        %dma_wait3A_104 = arith.constant 0 : i32
        %dma_wait3A_105 = tpu.memref_slice %arg7[%dma_wait3A_103, %dma_wait3A_104] : memref<10112x128xf32, #tpu.memory_space<vmem_shared>> -> memref<10112x128xf32, #tpu.memory_space<vmem_shared>>
        tpu.wait_indirect_dma semaphore(%arg15 : memref<!tpu.dma_semaphore, #tpu.memory_space<semaphore_mem>>) src(%arg11 : memref<128x128xf32, #tpu.memory_space<vmem>>) dst(%dma_wait3A_105 : memref<10112x128xf32, #tpu.memory_space<vmem_shared>>)
        %lt3A_106 = arith.constant 19 : i32
        %lt3A_107 = arith.cmpi slt, %add3A_54, %lt3A_106 : i32
        %convert_element_type3A_108 = arith.extui %lt3A_107 : i1 to i32
        %cond3A_109 = arith.constant 0 : i32
        %cond3A_110 = arith.cmpi ne, %convert_element_type3A_108, %cond3A_109 : i32
        scf.if %cond3A_110 {
          %add3A_111 = arith.constant 2 : i32
          %add3A_112 = arith.addi %mul3A_56, %add3A_111 : i32
          %add3A_113 = arith.constant 1 : i32
          %add3A_114 = arith.addi %add3A_112, %add3A_113 : i32
          %dma_start3A_115 = arith.constant 0 : i32
          %dma_start3A_116 = tpu.memref_slice %arg8[%add3A_114, %dma_start3A_115] : memref<40x128xi32, #tpu.memory_space<vmem>> -> memref<1x128xi32, #tpu.memory_space<vmem>>
          %dma_start3A_117 = tpu.memref_squeeze %dma_start3A_116 : memref<1x128xi32, #tpu.memory_space<vmem>> -> memref<128xi32, #tpu.memory_space<vmem>>
          %dma_start3A_118 = arith.constant 0 : i32
          %dma_start3A_119 = arith.constant 0 : i32
          %dma_start3A_120 = tpu.memref_slice %arg2[%dma_start3A_118, %dma_start3A_119] : memref<20000x128xf32, #tpu.memory_space<hbm>> -> memref<20000x128xf32, #tpu.memory_space<hbm>>
          tpu.enqueue_indirect_dma source(%dma_start3A_120 : memref<20000x128xf32, #tpu.memory_space<hbm>>) target(%arg11 : memref<128x128xf32, #tpu.memory_space<vmem>>) offsets(%dma_start3A_117 : memref<128xi32, #tpu.memory_space<vmem>>) semaphore(%arg13 : memref<!tpu.dma_semaphore, #tpu.memory_space<semaphore_mem>>)
        } else {
        }
      }
      %scan3A_49 = arith.constant 20 : i32
    }
    %scan3A_6 = arith.constant 4 : i32
    %barrier3A_7 = arith.constant 0 : index
    tpu.barrier barrier_id(%barrier3A_7)
    %mul3A_8 = arith.constant 632 : i32
    %mul3A_9 = arith.muli %arg1, %mul3A_8 : i32
    %mul3A_10 = arith.constant 10112 : i32
    %mul3A_11 = arith.muli %arg0, %mul3A_10 : i32
    %mul3A_12 = arith.constant 632 : i32
    %mul3A_13 = arith.muli %arg1, %mul3A_12 : i32
    %add3A = arith.addi %mul3A_11, %mul3A_13 : i32
    "tpu.region"() ({
      %run_scoped3A = tpu.sem_alloc : memref<!tpu.dma_semaphore, #tpu.memory_space<semaphore_mem>>
      %dma_start3A = arith.constant 0 : i32
      %dma_start3A_14 = tpu.memref_slice %arg6[%add3A, %dma_start3A] : memref<20224x128xf32, #tpu.memory_space<hbm>> -> memref<632x128xf32, #tpu.memory_space<hbm>>
      %dma_start3A_15 = arith.constant 0 : i32
      %dma_start3A_16 = tpu.memref_slice %arg7[%mul3A_9, %dma_start3A_15] : memref<10112x128xf32, #tpu.memory_space<vmem_shared>> -> memref<632x128xf32, #tpu.memory_space<vmem_shared>>
      tpu.enqueue_dma source(%dma_start3A_16 : memref<632x128xf32, #tpu.memory_space<vmem_shared>>) target(%dma_start3A_14 : memref<632x128xf32, #tpu.memory_space<hbm>>) target_semaphore(%run_scoped3A : memref<!tpu.dma_semaphore, #tpu.memory_space<semaphore_mem>>)
      %dma_wait3A = arith.constant 0 : i32
      %dma_wait3A_17 = tpu.memref_slice %arg6[%add3A, %dma_wait3A] : memref<20224x128xf32, #tpu.memory_space<hbm>> -> memref<632x128xf32, #tpu.memory_space<hbm>>
      %dma_wait3A_18 = arith.constant 0 : i32
      %dma_wait3A_19 = tpu.memref_slice %arg7[%mul3A_9, %dma_wait3A_18] : memref<10112x128xf32, #tpu.memory_space<vmem_shared>> -> memref<632x128xf32, #tpu.memory_space<vmem_shared>>
      tpu.wait_dma2 semaphore(%run_scoped3A : memref<!tpu.dma_semaphore, #tpu.memory_space<semaphore_mem>>) src(%dma_wait3A_19 : memref<632x128xf32, #tpu.memory_space<vmem_shared>>) dst(%dma_wait3A_17 : memref<632x128xf32, #tpu.memory_space<hbm>>)
      tpu.yield
    }) : () -> ()
    return
  }
}

#map = affine_map<(d0, d1) -> (0, 0)>
module attributes {stable_mosaic.version = 14 : i64} {
  func.func @seg_kernel(%arg0: i32, %arg1: i32, %arg2: memref<20000x128xf32, #tpu.memory_space<hbm>>, %arg3: memref<5120x128xi32, #tpu.memory_space<hbm>>, %arg4: memref<2560x128xi32, #tpu.memory_space<hbm>>, %arg5: memref<10112x128xf32, #tpu.memory_space<hbm>>, %arg6: memref<20224x128xf32, #tpu.memory_space<hbm>>, %arg7: memref<10112x128xf32, #tpu.memory_space<vmem_shared>>, %arg8: memref<40x128xi32, #tpu.memory_space<vmem>>, %arg9: memref<40x128xi32, #tpu.memory_space<vmem>>, %arg10: memref<128x128xf32, #tpu.memory_space<vmem>>, %arg11: memref<128x128xf32, #tpu.memory_space<vmem>>, %arg12: memref<!tpu.dma_semaphore, #tpu.memory_space<semaphore_mem>>, %arg13: memref<!tpu.dma_semaphore, #tpu.memory_space<semaphore_mem>>, %arg14: memref<!tpu.dma_semaphore, #tpu.memory_space<semaphore_mem>>, %arg15: memref<!tpu.dma_semaphore, #tpu.memory_space<semaphore_mem>>) attributes {dimension_semantics = [#tpu.dimension_semantics<core_parallel>, #tpu.dimension_semantics<subcore_parallel>], iteration_bounds = array<i64: 2, 16>, scalar_prefetch = 0 : i64, scratch_operands = 9 : i64, tpu.core_type = #tpu.core_type<sc_vector_subcore>, window_params = [{transform_indices = #map}, {transform_indices = #map}, {transform_indices = #map}, {transform_indices = #map}, {transform_indices = #map}]} {
    %mul3A = arith.constant 632 : i32
    %mul3A_0 = arith.muli %arg1, %mul3A : i32
    %mul3A_1 = arith.constant 632 : i32
    %mul3A_2 = arith.muli %arg1, %mul3A_1 : i32
    "tpu.region"() ({
      %run_scoped3A = tpu.sem_alloc : memref<!tpu.dma_semaphore, #tpu.memory_space<semaphore_mem>>
      %dma_start3A = arith.constant 0 : i32
      %dma_start3A_14 = tpu.memref_slice %arg7[%mul3A_2, %dma_start3A] : memref<10112x128xf32, #tpu.memory_space<vmem_shared>> -> memref<632x128xf32, #tpu.memory_space<vmem_shared>>
      %dma_start3A_15 = arith.constant 0 : i32
      %dma_start3A_16 = tpu.memref_slice %arg5[%mul3A_0, %dma_start3A_15] : memref<10112x128xf32, #tpu.memory_space<hbm>> -> memref<632x128xf32, #tpu.memory_space<hbm>>
      tpu.enqueue_dma source(%dma_start3A_16 : memref<632x128xf32, #tpu.memory_space<hbm>>) target(%dma_start3A_14 : memref<632x128xf32, #tpu.memory_space<vmem_shared>>) target_semaphore(%run_scoped3A : memref<!tpu.dma_semaphore, #tpu.memory_space<semaphore_mem>>)
      %dma_wait3A = arith.constant 0 : i32
      %dma_wait3A_17 = tpu.memref_slice %arg7[%mul3A_2, %dma_wait3A] : memref<10112x128xf32, #tpu.memory_space<vmem_shared>> -> memref<632x128xf32, #tpu.memory_space<vmem_shared>>
      %dma_wait3A_18 = arith.constant 0 : i32
      %dma_wait3A_19 = tpu.memref_slice %arg5[%mul3A_0, %dma_wait3A_18] : memref<10112x128xf32, #tpu.memory_space<hbm>> -> memref<632x128xf32, #tpu.memory_space<hbm>>
      tpu.wait_dma2 semaphore(%run_scoped3A : memref<!tpu.dma_semaphore, #tpu.memory_space<semaphore_mem>>) src(%dma_wait3A_19 : memref<632x128xf32, #tpu.memory_space<hbm>>) dst(%dma_wait3A_17 : memref<632x128xf32, #tpu.memory_space<vmem_shared>>)
      tpu.yield
    }) : () -> ()
    %barrier3A = arith.constant 0 : index
    tpu.barrier barrier_id(%barrier3A)
    %scan3A = arith.constant 0 : i32
    %scan3A_3 = arith.constant 4 : i32
    %scan3A_4 = arith.addi %scan3A, %scan3A_3 : i32
    %scan3A_5 = arith.constant 1 : i32
    scf.for %scan3A_14 = %scan3A to %scan3A_4 step %scan3A_5  : i32 {
      %mul3A_15 = arith.constant 1 : i32
      %mul3A_16 = arith.muli %scan3A_14, %mul3A_15 : i32
      %add3A_17 = arith.constant 0 : i32
      %add3A_18 = arith.addi %add3A_17, %mul3A_16 : i32
      %mul3A_19 = arith.constant 16 : i32
      %mul3A_20 = arith.muli %arg0, %mul3A_19 : i32
      %add3A_21 = arith.addi %mul3A_20, %arg1 : i32
      %mul3A_22 = arith.constant 160 : i32
      %mul3A_23 = arith.muli %add3A_21, %mul3A_22 : i32
      %mul3A_24 = arith.constant 40 : i32
      %mul3A_25 = arith.muli %add3A_18, %mul3A_24 : i32
      %add3A_26 = arith.addi %mul3A_23, %mul3A_25 : i32
      "tpu.region"() ({
        %run_scoped3A = tpu.sem_alloc : memref<!tpu.dma_semaphore, #tpu.memory_space<semaphore_mem>>
        %dma_start3A_50 = arith.constant 0 : i32
        %dma_start3A_51 = tpu.memref_slice %arg3[%add3A_26, %dma_start3A_50] : memref<5120x128xi32, #tpu.memory_space<hbm>> -> memref<40x128xi32, #tpu.memory_space<hbm>>
        %dma_start3A_52 = arith.constant 0 : i32
        %dma_start3A_53 = tpu.memref_slice %arg3[%add3A_26, %dma_start3A_52] : memref<5120x128xi32, #tpu.memory_space<hbm>> -> memref<40x128xi32, #tpu.memory_space<hbm>>
        tpu.enqueue_dma source(%dma_start3A_53 : memref<40x128xi32, #tpu.memory_space<hbm>>) target(%arg8 : memref<40x128xi32, #tpu.memory_space<vmem>>) target_semaphore(%run_scoped3A : memref<!tpu.dma_semaphore, #tpu.memory_space<semaphore_mem>>)
        %dma_wait3A = arith.constant 0 : i32
        %dma_wait3A_54 = tpu.memref_slice %arg3[%add3A_26, %dma_wait3A] : memref<5120x128xi32, #tpu.memory_space<hbm>> -> memref<40x128xi32, #tpu.memory_space<hbm>>
        %dma_wait3A_55 = arith.constant 0 : i32
        %dma_wait3A_56 = tpu.memref_slice %arg3[%add3A_26, %dma_wait3A_55] : memref<5120x128xi32, #tpu.memory_space<hbm>> -> memref<40x128xi32, #tpu.memory_space<hbm>>
        tpu.wait_dma2 semaphore(%run_scoped3A : memref<!tpu.dma_semaphore, #tpu.memory_space<semaphore_mem>>) src(%dma_wait3A_56 : memref<40x128xi32, #tpu.memory_space<hbm>>) dst(%arg8 : memref<40x128xi32, #tpu.memory_space<vmem>>)
        tpu.yield
      }) : () -> ()
      %mul3A_27 = arith.constant 160 : i32
      %mul3A_28 = arith.muli %arg1, %mul3A_27 : i32
      %mul3A_29 = arith.constant 40 : i32
      %mul3A_30 = arith.muli %add3A_18, %mul3A_29 : i32
      %add3A_31 = arith.addi %mul3A_28, %mul3A_30 : i32
      "tpu.region"() ({
        %run_scoped3A = tpu.sem_alloc : memref<!tpu.dma_semaphore, #tpu.memory_space<semaphore_mem>>
        %dma_start3A_50 = arith.constant 0 : i32
        %dma_start3A_51 = tpu.memref_slice %arg4[%add3A_31, %dma_start3A_50] : memref<2560x128xi32, #tpu.memory_space<hbm>> -> memref<40x128xi32, #tpu.memory_space<hbm>>
        %dma_start3A_52 = arith.constant 0 : i32
        %dma_start3A_53 = tpu.memref_slice %arg4[%add3A_31, %dma_start3A_52] : memref<2560x128xi32, #tpu.memory_space<hbm>> -> memref<40x128xi32, #tpu.memory_space<hbm>>
        tpu.enqueue_dma source(%dma_start3A_53 : memref<40x128xi32, #tpu.memory_space<hbm>>) target(%arg9 : memref<40x128xi32, #tpu.memory_space<vmem>>) target_semaphore(%run_scoped3A : memref<!tpu.dma_semaphore, #tpu.memory_space<semaphore_mem>>)
        %dma_wait3A = arith.constant 0 : i32
        %dma_wait3A_54 = tpu.memref_slice %arg4[%add3A_31, %dma_wait3A] : memref<2560x128xi32, #tpu.memory_space<hbm>> -> memref<40x128xi32, #tpu.memory_space<hbm>>
        %dma_wait3A_55 = arith.constant 0 : i32
        %dma_wait3A_56 = tpu.memref_slice %arg4[%add3A_31, %dma_wait3A_55] : memref<2560x128xi32, #tpu.memory_space<hbm>> -> memref<40x128xi32, #tpu.memory_space<hbm>>
        tpu.wait_dma2 semaphore(%run_scoped3A : memref<!tpu.dma_semaphore, #tpu.memory_space<semaphore_mem>>) src(%dma_wait3A_56 : memref<40x128xi32, #tpu.memory_space<hbm>>) dst(%arg9 : memref<40x128xi32, #tpu.memory_space<vmem>>)
        tpu.yield
      }) : () -> ()
      %dma_start3A = arith.constant 0 : i32
      %dma_start3A_32 = arith.constant 0 : i32
      %dma_start3A_33 = tpu.memref_slice %arg8[%dma_start3A, %dma_start3A_32] : memref<40x128xi32, #tpu.memory_space<vmem>> -> memref<1x128xi32, #tpu.memory_space<vmem>>
      %dma_start3A_34 = tpu.memref_squeeze %dma_start3A_33 : memref<1x128xi32, #tpu.memory_space<vmem>> -> memref<128xi32, #tpu.memory_space<vmem>>
      %dma_start3A_35 = arith.constant 0 : i32
      %dma_start3A_36 = arith.constant 0 : i32
      %dma_start3A_37 = tpu.memref_slice %arg2[%dma_start3A_35, %dma_start3A_36] : memref<20000x128xf32, #tpu.memory_space<hbm>> -> memref<20000x128xf32, #tpu.memory_space<hbm>>
      tpu.enqueue_indirect_dma source(%dma_start3A_37 : memref<20000x128xf32, #tpu.memory_space<hbm>>) target(%arg10 : memref<128x128xf32, #tpu.memory_space<vmem>>) offsets(%dma_start3A_34 : memref<128xi32, #tpu.memory_space<vmem>>) semaphore(%arg12 : memref<!tpu.dma_semaphore, #tpu.memory_space<semaphore_mem>>)
      %dma_start3A_38 = arith.constant 1 : i32
      %dma_start3A_39 = arith.constant 0 : i32
      %dma_start3A_40 = tpu.memref_slice %arg8[%dma_start3A_38, %dma_start3A_39] : memref<40x128xi32, #tpu.memory_space<vmem>> -> memref<1x128xi32, #tpu.memory_space<vmem>>
      %dma_start3A_41 = tpu.memref_squeeze %dma_start3A_40 : memref<1x128xi32, #tpu.memory_space<vmem>> -> memref<128xi32, #tpu.memory_space<vmem>>
      %dma_start3A_42 = arith.constant 0 : i32
      %dma_start3A_43 = arith.constant 0 : i32
      %dma_start3A_44 = tpu.memref_slice %arg2[%dma_start3A_42, %dma_start3A_43] : memref<20000x128xf32, #tpu.memory_space<hbm>> -> memref<20000x128xf32, #tpu.memory_space<hbm>>
      tpu.enqueue_indirect_dma source(%dma_start3A_44 : memref<20000x128xf32, #tpu.memory_space<hbm>>) target(%arg11 : memref<128x128xf32, #tpu.memory_space<vmem>>) offsets(%dma_start3A_41 : memref<128xi32, #tpu.memory_space<vmem>>) semaphore(%arg13 : memref<!tpu.dma_semaphore, #tpu.memory_space<semaphore_mem>>)
      %scan3A_45 = arith.constant 0 : i32
      %scan3A_46 = arith.constant 20 : i32
      %scan3A_47 = arith.addi %scan3A_45, %scan3A_46 : i32
      %scan3A_48 = arith.constant 1 : i32
      scf.for %scan3A_50 = %scan3A_45 to %scan3A_47 step %scan3A_48  : i32 {
        %mul3A_51 = arith.constant 1 : i32
        %mul3A_52 = arith.muli %scan3A_50, %mul3A_51 : i32
        %add3A_53 = arith.constant 0 : i32
        %add3A_54 = arith.addi %add3A_53, %mul3A_52 : i32
        %mul3A_55 = arith.constant 2 : i32
        %mul3A_56 = arith.muli %add3A_54, %mul3A_55 : i32
        %add3A_57 = arith.constant 0 : i32
        %add3A_58 = arith.addi %mul3A_56, %add3A_57 : i32
        %dma_wait3A = arith.constant 0 : i32
        %dma_wait3A_59 = tpu.memref_slice %arg8[%add3A_58, %dma_wait3A] : memref<40x128xi32, #tpu.memory_space<vmem>> -> memref<1x128xi32, #tpu.memory_space<vmem>>
        %dma_wait3A_60 = tpu.memref_squeeze %dma_wait3A_59 : memref<1x128xi32, #tpu.memory_space<vmem>> -> memref<128xi32, #tpu.memory_space<vmem>>
        %dma_wait3A_61 = arith.constant 0 : i32
        %dma_wait3A_62 = arith.constant 0 : i32
        %dma_wait3A_63 = tpu.memref_slice %arg2[%dma_wait3A_61, %dma_wait3A_62] : memref<20000x128xf32, #tpu.memory_space<hbm>> -> memref<20000x128xf32, #tpu.memory_space<hbm>>
        tpu.wait_indirect_dma semaphore(%arg12 : memref<!tpu.dma_semaphore, #tpu.memory_space<semaphore_mem>>) src(%dma_wait3A_63 : memref<20000x128xf32, #tpu.memory_space<hbm>>) dst(%arg10 : memref<128x128xf32, #tpu.memory_space<vmem>>)
        %add3A_64 = arith.constant 0 : i32
        %add3A_65 = arith.addi %mul3A_56, %add3A_64 : i32
        %dma_start3A_66 = arith.constant 0 : i32
        %dma_start3A_67 = tpu.memref_slice %arg9[%add3A_65, %dma_start3A_66] : memref<40x128xi32, #tpu.memory_space<vmem>> -> memref<1x128xi32, #tpu.memory_space<vmem>>
        %dma_start3A_68 = tpu.memref_squeeze %dma_start3A_67 : memref<1x128xi32, #tpu.memory_space<vmem>> -> memref<128xi32, #tpu.memory_space<vmem>>
        %dma_start3A_69 = arith.constant 0 : i32
        %dma_start3A_70 = arith.constant 0 : i32
        %dma_start3A_71 = tpu.memref_slice %arg7[%dma_start3A_69, %dma_start3A_70] : memref<10112x128xf32, #tpu.memory_space<vmem_shared>> -> memref<10112x128xf32, #tpu.memory_space<vmem_shared>>
        tpu.enqueue_indirect_dma source(%arg10 : memref<128x128xf32, #tpu.memory_space<vmem>>) target(%dma_start3A_71 : memref<10112x128xf32, #tpu.memory_space<vmem_shared>>) offsets(%dma_start3A_68 : memref<128xi32, #tpu.memory_space<vmem>>) semaphore(%arg14 : memref<!tpu.dma_semaphore, #tpu.memory_space<semaphore_mem>>) {add = true}
        %add3A_72 = arith.constant 1 : i32
        %add3A_73 = arith.addi %mul3A_56, %add3A_72 : i32
        %dma_wait3A_74 = arith.constant 0 : i32
        %dma_wait3A_75 = tpu.memref_slice %arg8[%add3A_73, %dma_wait3A_74] : memref<40x128xi32, #tpu.memory_space<vmem>> -> memref<1x128xi32, #tpu.memory_space<vmem>>
        %dma_wait3A_76 = tpu.memref_squeeze %dma_wait3A_75 : memref<1x128xi32, #tpu.memory_space<vmem>> -> memref<128xi32, #tpu.memory_space<vmem>>
        %dma_wait3A_77 = arith.constant 0 : i32
        %dma_wait3A_78 = arith.constant 0 : i32
        %dma_wait3A_79 = tpu.memref_slice %arg2[%dma_wait3A_77, %dma_wait3A_78] : memref<20000x128xf32, #tpu.memory_space<hbm>> -> memref<20000x128xf32, #tpu.memory_space<hbm>>
        tpu.wait_indirect_dma semaphore(%arg13 : memref<!tpu.dma_semaphore, #tpu.memory_space<semaphore_mem>>) src(%dma_wait3A_79 : memref<20000x128xf32, #tpu.memory_space<hbm>>) dst(%arg11 : memref<128x128xf32, #tpu.memory_space<vmem>>)
        %add3A_80 = arith.constant 1 : i32
        %add3A_81 = arith.addi %mul3A_56, %add3A_80 : i32
        %dma_start3A_82 = arith.constant 0 : i32
        %dma_start3A_83 = tpu.memref_slice %arg9[%add3A_81, %dma_start3A_82] : memref<40x128xi32, #tpu.memory_space<vmem>> -> memref<1x128xi32, #tpu.memory_space<vmem>>
        %dma_start3A_84 = tpu.memref_squeeze %dma_start3A_83 : memref<1x128xi32, #tpu.memory_space<vmem>> -> memref<128xi32, #tpu.memory_space<vmem>>
        %dma_start3A_85 = arith.constant 0 : i32
        %dma_start3A_86 = arith.constant 0 : i32
        %dma_start3A_87 = tpu.memref_slice %arg7[%dma_start3A_85, %dma_start3A_86] : memref<10112x128xf32, #tpu.memory_space<vmem_shared>> -> memref<10112x128xf32, #tpu.memory_space<vmem_shared>>
        tpu.enqueue_indirect_dma source(%arg11 : memref<128x128xf32, #tpu.memory_space<vmem>>) target(%dma_start3A_87 : memref<10112x128xf32, #tpu.memory_space<vmem_shared>>) offsets(%dma_start3A_84 : memref<128xi32, #tpu.memory_space<vmem>>) semaphore(%arg15 : memref<!tpu.dma_semaphore, #tpu.memory_space<semaphore_mem>>) {add = true}
        %add3A_88 = arith.constant 0 : i32
        %add3A_89 = arith.addi %mul3A_56, %add3A_88 : i32
        %dma_wait3A_90 = arith.constant 0 : i32
        %dma_wait3A_91 = tpu.memref_slice %arg9[%add3A_89, %dma_wait3A_90] : memref<40x128xi32, #tpu.memory_space<vmem>> -> memref<1x128xi32, #tpu.memory_space<vmem>>
        %dma_wait3A_92 = tpu.memref_squeeze %dma_wait3A_91 : memref<1x128xi32, #tpu.memory_space<vmem>> -> memref<128xi32, #tpu.memory_space<vmem>>
        %dma_wait3A_93 = arith.constant 0 : i32
        %dma_wait3A_94 = arith.constant 0 : i32
        %dma_wait3A_95 = tpu.memref_slice %arg7[%dma_wait3A_93, %dma_wait3A_94] : memref<10112x128xf32, #tpu.memory_space<vmem_shared>> -> memref<10112x128xf32, #tpu.memory_space<vmem_shared>>
        tpu.wait_indirect_dma semaphore(%arg14 : memref<!tpu.dma_semaphore, #tpu.memory_space<semaphore_mem>>) src(%arg10 : memref<128x128xf32, #tpu.memory_space<vmem>>) dst(%dma_wait3A_95 : memref<10112x128xf32, #tpu.memory_space<vmem_shared>>)
        %lt3A = arith.constant 19 : i32
        %lt3A_96 = arith.cmpi slt, %add3A_54, %lt3A : i32
        %convert_element_type3A = arith.extui %lt3A_96 : i1 to i32
        %cond3A = arith.constant 0 : i32
        %cond3A_97 = arith.cmpi ne, %convert_element_type3A, %cond3A : i32
        scf.if %cond3A_97 {
          %add3A_111 = arith.constant 2 : i32
          %add3A_112 = arith.addi %mul3A_56, %add3A_111 : i32
          %add3A_113 = arith.constant 0 : i32
          %add3A_114 = arith.addi %add3A_112, %add3A_113 : i32
          %dma_start3A_115 = arith.constant 0 : i32
          %dma_start3A_116 = tpu.memref_slice %arg8[%add3A_114, %dma_start3A_115] : memref<40x128xi32, #tpu.memory_space<vmem>> -> memref<1x128xi32, #tpu.memory_space<vmem>>
          %dma_start3A_117 = tpu.memref_squeeze %dma_start3A_116 : memref<1x128xi32, #tpu.memory_space<vmem>> -> memref<128xi32, #tpu.memory_space<vmem>>
          %dma_start3A_118 = arith.constant 0 : i32
          %dma_start3A_119 = arith.constant 0 : i32
          %dma_start3A_120 = tpu.memref_slice %arg2[%dma_start3A_118, %dma_start3A_119] : memref<20000x128xf32, #tpu.memory_space<hbm>> -> memref<20000x128xf32, #tpu.memory_space<hbm>>
          tpu.enqueue_indirect_dma source(%dma_start3A_120 : memref<20000x128xf32, #tpu.memory_space<hbm>>) target(%arg10 : memref<128x128xf32, #tpu.memory_space<vmem>>) offsets(%dma_start3A_117 : memref<128xi32, #tpu.memory_space<vmem>>) semaphore(%arg12 : memref<!tpu.dma_semaphore, #tpu.memory_space<semaphore_mem>>)
        } else {
        }
        %add3A_98 = arith.constant 1 : i32
        %add3A_99 = arith.addi %mul3A_56, %add3A_98 : i32
        %dma_wait3A_100 = arith.constant 0 : i32
        %dma_wait3A_101 = tpu.memref_slice %arg9[%add3A_99, %dma_wait3A_100] : memref<40x128xi32, #tpu.memory_space<vmem>> -> memref<1x128xi32, #tpu.memory_space<vmem>>
        %dma_wait3A_102 = tpu.memref_squeeze %dma_wait3A_101 : memref<1x128xi32, #tpu.memory_space<vmem>> -> memref<128xi32, #tpu.memory_space<vmem>>
        %dma_wait3A_103 = arith.constant 0 : i32
        %dma_wait3A_104 = arith.constant 0 : i32
        %dma_wait3A_105 = tpu.memref_slice %arg7[%dma_wait3A_103, %dma_wait3A_104] : memref<10112x128xf32, #tpu.memory_space<vmem_shared>> -> memref<10112x128xf32, #tpu.memory_space<vmem_shared>>
        tpu.wait_indirect_dma semaphore(%arg15 : memref<!tpu.dma_semaphore, #tpu.memory_space<semaphore_mem>>) src(%arg11 : memref<128x128xf32, #tpu.memory_space<vmem>>) dst(%dma_wait3A_105 : memref<10112x128xf32, #tpu.memory_space<vmem_shared>>)
        %lt3A_106 = arith.constant 19 : i32
        %lt3A_107 = arith.cmpi slt, %add3A_54, %lt3A_106 : i32
        %convert_element_type3A_108 = arith.extui %lt3A_107 : i1 to i32
        %cond3A_109 = arith.constant 0 : i32
        %cond3A_110 = arith.cmpi ne, %convert_element_type3A_108, %cond3A_109 : i32
        scf.if %cond3A_110 {
          %add3A_111 = arith.constant 2 : i32
          %add3A_112 = arith.addi %mul3A_56, %add3A_111 : i32
          %add3A_113 = arith.constant 1 : i32
          %add3A_114 = arith.addi %add3A_112, %add3A_113 : i32
          %dma_start3A_115 = arith.constant 0 : i32
          %dma_start3A_116 = tpu.memref_slice %arg8[%add3A_114, %dma_start3A_115] : memref<40x128xi32, #tpu.memory_space<vmem>> -> memref<1x128xi32, #tpu.memory_space<vmem>>
          %dma_start3A_117 = tpu.memref_squeeze %dma_start3A_116 : memref<1x128xi32, #tpu.memory_space<vmem>> -> memref<128xi32, #tpu.memory_space<vmem>>
          %dma_start3A_118 = arith.constant 0 : i32
          %dma_start3A_119 = arith.constant 0 : i32
          %dma_start3A_120 = tpu.memref_slice %arg2[%dma_start3A_118, %dma_start3A_119] : memref<20000x128xf32, #tpu.memory_space<hbm>> -> memref<20000x128xf32, #tpu.memory_space<hbm>>
          tpu.enqueue_indirect_dma source(%dma_start3A_120 : memref<20000x128xf32, #tpu.memory_space<hbm>>) target(%arg11 : memref<128x128xf32, #tpu.memory_space<vmem>>) offsets(%dma_start3A_117 : memref<128xi32, #tpu.memory_space<vmem>>) semaphore(%arg13 : memref<!tpu.dma_semaphore, #tpu.memory_space<semaphore_mem>>)
        } else {
        }
      }
      %scan3A_49 = arith.constant 20 : i32
    }
    %scan3A_6 = arith.constant 4 : i32
    %barrier3A_7 = arith.constant 0 : index
    tpu.barrier barrier_id(%barrier3A_7)
    %mul3A_8 = arith.constant 632 : i32
    %mul3A_9 = arith.muli %arg1, %mul3A_8 : i32
    %mul3A_10 = arith.constant 10112 : i32
    %mul3A_11 = arith.muli %arg0, %mul3A_10 : i32
    %mul3A_12 = arith.constant 632 : i32
    %mul3A_13 = arith.muli %arg1, %mul3A_12 : i32
    %add3A = arith.addi %mul3A_11, %mul3A_13 : i32
    "tpu.region"() ({
      %run_scoped3A = tpu.sem_alloc : memref<!tpu.dma_semaphore, #tpu.memory_space<semaphore_mem>>
      %dma_start3A = arith.constant 0 : i32
      %dma_start3A_14 = tpu.memref_slice %arg6[%add3A, %dma_start3A] : memref<20224x128xf32, #tpu.memory_space<hbm>> -> memref<632x128xf32, #tpu.memory_space<hbm>>
      %dma_start3A_15 = arith.constant 0 : i32
      %dma_start3A_16 = tpu.memref_slice %arg7[%mul3A_9, %dma_start3A_15] : memref<10112x128xf32, #tpu.memory_space<vmem_shared>> -> memref<632x128xf32, #tpu.memory_space<vmem_shared>>
      tpu.enqueue_dma source(%dma_start3A_16 : memref<632x128xf32, #tpu.memory_space<vmem_shared>>) target(%dma_start3A_14 : memref<632x128xf32, #tpu.memory_space<hbm>>) target_semaphore(%run_scoped3A : memref<!tpu.dma_semaphore, #tpu.memory_space<semaphore_mem>>)
      %dma_wait3A = arith.constant 0 : i32
      %dma_wait3A_17 = tpu.memref_slice %arg6[%add3A, %dma_wait3A] : memref<20224x128xf32, #tpu.memory_space<hbm>> -> memref<632x128xf32, #tpu.memory_space<hbm>>
      %dma_wait3A_18 = arith.constant 0 : i32
      %dma_wait3A_19 = tpu.memref_slice %arg7[%mul3A_9, %dma_wait3A_18] : memref<10112x128xf32, #tpu.memory_space<vmem_shared>> -> memref<632x128xf32, #tpu.memory_space<vmem_shared>>
      tpu.wait_dma2 semaphore(%run_scoped3A : memref<!tpu.dma_semaphore, #tpu.memory_space<semaphore_mem>>) src(%dma_wait3A_19 : memref<632x128xf32, #tpu.memory_space<vmem_shared>>) dst(%dma_wait3A_17 : memref<632x128xf32, #tpu.memory_space<hbm>>)
      tpu.yield
    }) : () -> ()
    return
  }
}

#map = affine_map<(d0, d1) -> (0, 0)>
module attributes {stable_mosaic.version = 14 : i64} {
  func.func @deg_kernel(%arg0: i32, %arg1: i32, %arg2: memref<2560x128xi32, #tpu.memory_space<hbm>>, %arg3: memref<128x128xf32, #tpu.memory_space<hbm>>, %arg4: memref<10112x128xf32, #tpu.memory_space<hbm>>, %arg5: memref<20224x128xf32, #tpu.memory_space<hbm>>, %arg6: memref<10112x128xf32, #tpu.memory_space<vmem_shared>>, %arg7: memref<80x128xi32, #tpu.memory_space<vmem>>, %arg8: memref<128x128xf32, #tpu.memory_space<vmem>>, %arg9: memref<!tpu.dma_semaphore, #tpu.memory_space<semaphore_mem>>, %arg10: memref<!tpu.dma_semaphore, #tpu.memory_space<semaphore_mem>>) attributes {dimension_semantics = [#tpu.dimension_semantics<core_parallel>, #tpu.dimension_semantics<subcore_parallel>], iteration_bounds = array<i64: 2, 16>, scalar_prefetch = 0 : i64, scratch_operands = 5 : i64, tpu.core_type = #tpu.core_type<sc_vector_subcore>, window_params = [{transform_indices = #map}, {transform_indices = #map}, {transform_indices = #map}, {transform_indices = #map}]} {
    %mul3A = arith.constant 632 : i32
    %mul3A_0 = arith.muli %arg1, %mul3A : i32
    %mul3A_1 = arith.constant 632 : i32
    %mul3A_2 = arith.muli %arg1, %mul3A_1 : i32
    "tpu.region"() ({
      %run_scoped3A = tpu.sem_alloc : memref<!tpu.dma_semaphore, #tpu.memory_space<semaphore_mem>>
      %dma_start3A = arith.constant 0 : i32
      %dma_start3A_32 = tpu.memref_slice %arg6[%mul3A_2, %dma_start3A] : memref<10112x128xf32, #tpu.memory_space<vmem_shared>> -> memref<632x128xf32, #tpu.memory_space<vmem_shared>>
      %dma_start3A_33 = arith.constant 0 : i32
      %dma_start3A_34 = tpu.memref_slice %arg4[%mul3A_0, %dma_start3A_33] : memref<10112x128xf32, #tpu.memory_space<hbm>> -> memref<632x128xf32, #tpu.memory_space<hbm>>
      tpu.enqueue_dma source(%dma_start3A_34 : memref<632x128xf32, #tpu.memory_space<hbm>>) target(%dma_start3A_32 : memref<632x128xf32, #tpu.memory_space<vmem_shared>>) target_semaphore(%run_scoped3A : memref<!tpu.dma_semaphore, #tpu.memory_space<semaphore_mem>>)
      %dma_wait3A_35 = arith.constant 0 : i32
      %dma_wait3A_36 = tpu.memref_slice %arg6[%mul3A_2, %dma_wait3A_35] : memref<10112x128xf32, #tpu.memory_space<vmem_shared>> -> memref<632x128xf32, #tpu.memory_space<vmem_shared>>
      %dma_wait3A_37 = arith.constant 0 : i32
      %dma_wait3A_38 = tpu.memref_slice %arg4[%mul3A_0, %dma_wait3A_37] : memref<10112x128xf32, #tpu.memory_space<hbm>> -> memref<632x128xf32, #tpu.memory_space<hbm>>
      tpu.wait_dma2 semaphore(%run_scoped3A : memref<!tpu.dma_semaphore, #tpu.memory_space<semaphore_mem>>) src(%dma_wait3A_38 : memref<632x128xf32, #tpu.memory_space<hbm>>) dst(%dma_wait3A_36 : memref<632x128xf32, #tpu.memory_space<vmem_shared>>)
      tpu.yield
    }) : () -> ()
    %mul3A_3 = arith.constant 16 : i32
    %mul3A_4 = arith.muli %arg0, %mul3A_3 : i32
    %add3A = arith.addi %mul3A_4, %arg1 : i32
    %mul3A_5 = arith.constant 80 : i32
    %mul3A_6 = arith.muli %add3A, %mul3A_5 : i32
    "tpu.region"() ({
      %run_scoped3A = tpu.sem_alloc : memref<!tpu.dma_semaphore, #tpu.memory_space<semaphore_mem>>
      %dma_start3A = arith.constant 0 : i32
      %dma_start3A_32 = tpu.memref_slice %arg2[%mul3A_6, %dma_start3A] : memref<2560x128xi32, #tpu.memory_space<hbm>> -> memref<80x128xi32, #tpu.memory_space<hbm>>
      %dma_start3A_33 = arith.constant 0 : i32
      %dma_start3A_34 = tpu.memref_slice %arg2[%mul3A_6, %dma_start3A_33] : memref<2560x128xi32, #tpu.memory_space<hbm>> -> memref<80x128xi32, #tpu.memory_space<hbm>>
      tpu.enqueue_dma source(%dma_start3A_34 : memref<80x128xi32, #tpu.memory_space<hbm>>) target(%arg7 : memref<80x128xi32, #tpu.memory_space<vmem>>) target_semaphore(%run_scoped3A : memref<!tpu.dma_semaphore, #tpu.memory_space<semaphore_mem>>)
      %dma_wait3A_35 = arith.constant 0 : i32
      %dma_wait3A_36 = tpu.memref_slice %arg2[%mul3A_6, %dma_wait3A_35] : memref<2560x128xi32, #tpu.memory_space<hbm>> -> memref<80x128xi32, #tpu.memory_space<hbm>>
      %dma_wait3A_37 = arith.constant 0 : i32
      %dma_wait3A_38 = tpu.memref_slice %arg2[%mul3A_6, %dma_wait3A_37] : memref<2560x128xi32, #tpu.memory_space<hbm>> -> memref<80x128xi32, #tpu.memory_space<hbm>>
      tpu.wait_dma2 semaphore(%run_scoped3A : memref<!tpu.dma_semaphore, #tpu.memory_space<semaphore_mem>>) src(%dma_wait3A_38 : memref<80x128xi32, #tpu.memory_space<hbm>>) dst(%arg7 : memref<80x128xi32, #tpu.memory_space<vmem>>)
      tpu.yield
    }) : () -> ()
    "tpu.region"() ({
      %run_scoped3A = tpu.sem_alloc : memref<!tpu.dma_semaphore, #tpu.memory_space<semaphore_mem>>
      tpu.enqueue_dma source(%arg3 : memref<128x128xf32, #tpu.memory_space<hbm>>) target(%arg8 : memref<128x128xf32, #tpu.memory_space<vmem>>) target_semaphore(%run_scoped3A : memref<!tpu.dma_semaphore, #tpu.memory_space<semaphore_mem>>)
      tpu.wait_dma2 semaphore(%run_scoped3A : memref<!tpu.dma_semaphore, #tpu.memory_space<semaphore_mem>>) src(%arg3 : memref<128x128xf32, #tpu.memory_space<hbm>>) dst(%arg8 : memref<128x128xf32, #tpu.memory_space<vmem>>)
      tpu.yield
    }) : () -> ()
    %barrier3A = arith.constant 0 : index
    tpu.barrier barrier_id(%barrier3A)
    %scan3A = arith.constant 0 : i32
    %scan3A_7 = arith.constant 40 : i32
    %scan3A_8 = arith.addi %scan3A, %scan3A_7 : i32
    %scan3A_9 = arith.constant 1 : i32
    scf.for %scan3A_32 = %scan3A to %scan3A_8 step %scan3A_9  : i32 {
      %mul3A_33 = arith.constant 1 : i32
      %mul3A_34 = arith.muli %scan3A_32, %mul3A_33 : i32
      %add3A_35 = arith.constant 0 : i32
      %add3A_36 = arith.addi %add3A_35, %mul3A_34 : i32
      %mul3A_37 = arith.constant 2 : i32
      %mul3A_38 = arith.muli %mul3A_37, %add3A_36 : i32
      %add3A_39 = arith.constant 0 : i32
      %add3A_40 = arith.addi %mul3A_38, %add3A_39 : i32
      %gt3A = arith.constant 0 : i32
      %gt3A_41 = arith.cmpi sgt, %add3A_36, %gt3A : i32
      %convert_element_type3A = arith.extui %gt3A_41 : i1 to i32
      %cond3A = arith.constant 0 : i32
      %cond3A_42 = arith.cmpi ne, %convert_element_type3A, %cond3A : i32
      scf.if %cond3A_42 {
        %dma_wait3A_63 = arith.constant 0 : i32
        %dma_wait3A_64 = tpu.memref_slice %arg7[%add3A_40, %dma_wait3A_63] : memref<80x128xi32, #tpu.memory_space<vmem>> -> memref<1x128xi32, #tpu.memory_space<vmem>>
        %dma_wait3A_65 = tpu.memref_squeeze %dma_wait3A_64 : memref<1x128xi32, #tpu.memory_space<vmem>> -> memref<128xi32, #tpu.memory_space<vmem>>
        %dma_wait3A_66 = arith.constant 0 : i32
        %dma_wait3A_67 = arith.constant 0 : i32
        %dma_wait3A_68 = tpu.memref_slice %arg6[%dma_wait3A_66, %dma_wait3A_67] : memref<10112x128xf32, #tpu.memory_space<vmem_shared>> -> memref<10112x128xf32, #tpu.memory_space<vmem_shared>>
        tpu.wait_indirect_dma semaphore(%arg9 : memref<!tpu.dma_semaphore, #tpu.memory_space<semaphore_mem>>) src(%arg8 : memref<128x128xf32, #tpu.memory_space<vmem>>) dst(%dma_wait3A_68 : memref<10112x128xf32, #tpu.memory_space<vmem_shared>>)
      } else {
      }
      %dma_start3A = arith.constant 0 : i32
      %dma_start3A_43 = tpu.memref_slice %arg7[%add3A_40, %dma_start3A] : memref<80x128xi32, #tpu.memory_space<vmem>> -> memref<1x128xi32, #tpu.memory_space<vmem>>
      %dma_start3A_44 = tpu.memref_squeeze %dma_start3A_43 : memref<1x128xi32, #tpu.memory_space<vmem>> -> memref<128xi32, #tpu.memory_space<vmem>>
      %dma_start3A_45 = arith.constant 0 : i32
      %dma_start3A_46 = arith.constant 0 : i32
      %dma_start3A_47 = tpu.memref_slice %arg6[%dma_start3A_45, %dma_start3A_46] : memref<10112x128xf32, #tpu.memory_space<vmem_shared>> -> memref<10112x128xf32, #tpu.memory_space<vmem_shared>>
      tpu.enqueue_indirect_dma source(%arg8 : memref<128x128xf32, #tpu.memory_space<vmem>>) target(%dma_start3A_47 : memref<10112x128xf32, #tpu.memory_space<vmem_shared>>) offsets(%dma_start3A_44 : memref<128xi32, #tpu.memory_space<vmem>>) semaphore(%arg9 : memref<!tpu.dma_semaphore, #tpu.memory_space<semaphore_mem>>) {add = true}
      %mul3A_48 = arith.constant 2 : i32
      %mul3A_49 = arith.muli %mul3A_48, %add3A_36 : i32
      %add3A_50 = arith.constant 1 : i32
      %add3A_51 = arith.addi %mul3A_49, %add3A_50 : i32
      %gt3A_52 = arith.constant 0 : i32
      %gt3A_53 = arith.cmpi sgt, %add3A_36, %gt3A_52 : i32
      %convert_element_type3A_54 = arith.extui %gt3A_53 : i1 to i32
      %cond3A_55 = arith.constant 0 : i32
      %cond3A_56 = arith.cmpi ne, %convert_element_type3A_54, %cond3A_55 : i32
      scf.if %cond3A_56 {
        %dma_wait3A_63 = arith.constant 0 : i32
        %dma_wait3A_64 = tpu.memref_slice %arg7[%add3A_51, %dma_wait3A_63] : memref<80x128xi32, #tpu.memory_space<vmem>> -> memref<1x128xi32, #tpu.memory_space<vmem>>
        %dma_wait3A_65 = tpu.memref_squeeze %dma_wait3A_64 : memref<1x128xi32, #tpu.memory_space<vmem>> -> memref<128xi32, #tpu.memory_space<vmem>>
        %dma_wait3A_66 = arith.constant 0 : i32
        %dma_wait3A_67 = arith.constant 0 : i32
        %dma_wait3A_68 = tpu.memref_slice %arg6[%dma_wait3A_66, %dma_wait3A_67] : memref<10112x128xf32, #tpu.memory_space<vmem_shared>> -> memref<10112x128xf32, #tpu.memory_space<vmem_shared>>
        tpu.wait_indirect_dma semaphore(%arg10 : memref<!tpu.dma_semaphore, #tpu.memory_space<semaphore_mem>>) src(%arg8 : memref<128x128xf32, #tpu.memory_space<vmem>>) dst(%dma_wait3A_68 : memref<10112x128xf32, #tpu.memory_space<vmem_shared>>)
      } else {
      }
      %dma_start3A_57 = arith.constant 0 : i32
      %dma_start3A_58 = tpu.memref_slice %arg7[%add3A_51, %dma_start3A_57] : memref<80x128xi32, #tpu.memory_space<vmem>> -> memref<1x128xi32, #tpu.memory_space<vmem>>
      %dma_start3A_59 = tpu.memref_squeeze %dma_start3A_58 : memref<1x128xi32, #tpu.memory_space<vmem>> -> memref<128xi32, #tpu.memory_space<vmem>>
      %dma_start3A_60 = arith.constant 0 : i32
      %dma_start3A_61 = arith.constant 0 : i32
      %dma_start3A_62 = tpu.memref_slice %arg6[%dma_start3A_60, %dma_start3A_61] : memref<10112x128xf32, #tpu.memory_space<vmem_shared>> -> memref<10112x128xf32, #tpu.memory_space<vmem_shared>>
      tpu.enqueue_indirect_dma source(%arg8 : memref<128x128xf32, #tpu.memory_space<vmem>>) target(%dma_start3A_62 : memref<10112x128xf32, #tpu.memory_space<vmem_shared>>) offsets(%dma_start3A_59 : memref<128xi32, #tpu.memory_space<vmem>>) semaphore(%arg10 : memref<!tpu.dma_semaphore, #tpu.memory_space<semaphore_mem>>) {add = true}
    }
    %scan3A_10 = arith.constant 40 : i32
    %dma_wait3A = arith.constant 78 : i32
    %dma_wait3A_11 = arith.constant 0 : i32
    %dma_wait3A_12 = tpu.memref_slice %arg7[%dma_wait3A, %dma_wait3A_11] : memref<80x128xi32, #tpu.memory_space<vmem>> -> memref<1x128xi32, #tpu.memory_space<vmem>>
    %dma_wait3A_13 = tpu.memref_squeeze %dma_wait3A_12 : memref<1x128xi32, #tpu.memory_space<vmem>> -> memref<128xi32, #tpu.memory_space<vmem>>
    %dma_wait3A_14 = arith.constant 0 : i32
    %dma_wait3A_15 = arith.constant 0 : i32
    %dma_wait3A_16 = tpu.memref_slice %arg6[%dma_wait3A_14, %dma_wait3A_15] : memref<10112x128xf32, #tpu.memory_space<vmem_shared>> -> memref<10112x128xf32, #tpu.memory_space<vmem_shared>>
    tpu.wait_indirect_dma semaphore(%arg9 : memref<!tpu.dma_semaphore, #tpu.memory_space<semaphore_mem>>) src(%arg8 : memref<128x128xf32, #tpu.memory_space<vmem>>) dst(%dma_wait3A_16 : memref<10112x128xf32, #tpu.memory_space<vmem_shared>>)
    %dma_wait3A_17 = arith.constant 79 : i32
    %dma_wait3A_18 = arith.constant 0 : i32
    %dma_wait3A_19 = tpu.memref_slice %arg7[%dma_wait3A_17, %dma_wait3A_18] : memref<80x128xi32, #tpu.memory_space<vmem>> -> memref<1x128xi32, #tpu.memory_space<vmem>>
    %dma_wait3A_20 = tpu.memref_squeeze %dma_wait3A_19 : memref<1x128xi32, #tpu.memory_space<vmem>> -> memref<128xi32, #tpu.memory_space<vmem>>
    %dma_wait3A_21 = arith.constant 0 : i32
    %dma_wait3A_22 = arith.constant 0 : i32
    %dma_wait3A_23 = tpu.memref_slice %arg6[%dma_wait3A_21, %dma_wait3A_22] : memref<10112x128xf32, #tpu.memory_space<vmem_shared>> -> memref<10112x128xf32, #tpu.memory_space<vmem_shared>>
    tpu.wait_indirect_dma semaphore(%arg10 : memref<!tpu.dma_semaphore, #tpu.memory_space<semaphore_mem>>) src(%arg8 : memref<128x128xf32, #tpu.memory_space<vmem>>) dst(%dma_wait3A_23 : memref<10112x128xf32, #tpu.memory_space<vmem_shared>>)
    %barrier3A_24 = arith.constant 0 : index
    tpu.barrier barrier_id(%barrier3A_24)
    %mul3A_25 = arith.constant 632 : i32
    %mul3A_26 = arith.muli %arg1, %mul3A_25 : i32
    %mul3A_27 = arith.constant 10112 : i32
    %mul3A_28 = arith.muli %arg0, %mul3A_27 : i32
    %mul3A_29 = arith.constant 632 : i32
    %mul3A_30 = arith.muli %arg1, %mul3A_29 : i32
    %add3A_31 = arith.addi %mul3A_28, %mul3A_30 : i32
    "tpu.region"() ({
      %run_scoped3A = tpu.sem_alloc : memref<!tpu.dma_semaphore, #tpu.memory_space<semaphore_mem>>
      %dma_start3A = arith.constant 0 : i32
      %dma_start3A_32 = tpu.memref_slice %arg5[%add3A_31, %dma_start3A] : memref<20224x128xf32, #tpu.memory_space<hbm>> -> memref<632x128xf32, #tpu.memory_space<hbm>>
      %dma_start3A_33 = arith.constant 0 : i32
      %dma_start3A_34 = tpu.memref_slice %arg6[%mul3A_26, %dma_start3A_33] : memref<10112x128xf32, #tpu.memory_space<vmem_shared>> -> memref<632x128xf32, #tpu.memory_space<vmem_shared>>
      tpu.enqueue_dma source(%dma_start3A_34 : memref<632x128xf32, #tpu.memory_space<vmem_shared>>) target(%dma_start3A_32 : memref<632x128xf32, #tpu.memory_space<hbm>>) target_semaphore(%run_scoped3A : memref<!tpu.dma_semaphore, #tpu.memory_space<semaphore_mem>>)
      %dma_wait3A_35 = arith.constant 0 : i32
      %dma_wait3A_36 = tpu.memref_slice %arg5[%add3A_31, %dma_wait3A_35] : memref<20224x128xf32, #tpu.memory_space<hbm>> -> memref<632x128xf32, #tpu.memory_space<hbm>>
      %dma_wait3A_37 = arith.constant 0 : i32
      %dma_wait3A_38 = tpu.memref_slice %arg6[%mul3A_26, %dma_wait3A_37] : memref<10112x128xf32, #tpu.memory_space<vmem_shared>> -> memref<632x128xf32, #tpu.memory_space<vmem_shared>>
      tpu.wait_dma2 semaphore(%run_scoped3A : memref<!tpu.dma_semaphore, #tpu.memory_space<semaphore_mem>>) src(%dma_wait3A_38 : memref<632x128xf32, #tpu.memory_space<vmem_shared>>) dst(%dma_wait3A_36 : memref<632x128xf32, #tpu.memory_space<hbm>>)
      tpu.yield
    }) : () -> ()
    return
  }
}

#map = affine_map<(d0, d1) -> (0, 0)>
module attributes {stable_mosaic.version = 14 : i64} {
  func.func @seg_kernel(%arg0: i32, %arg1: i32, %arg2: memref<20000x128xf32, #tpu.memory_space<hbm>>, %arg3: memref<5120x128xi32, #tpu.memory_space<hbm>>, %arg4: memref<2560x128xi32, #tpu.memory_space<hbm>>, %arg5: memref<10112x128xf32, #tpu.memory_space<hbm>>, %arg6: memref<20224x128xf32, #tpu.memory_space<hbm>>, %arg7: memref<10112x128xf32, #tpu.memory_space<vmem_shared>>, %arg8: memref<40x128xi32, #tpu.memory_space<vmem>>, %arg9: memref<40x128xi32, #tpu.memory_space<vmem>>, %arg10: memref<128x128xf32, #tpu.memory_space<vmem>>, %arg11: memref<128x128xf32, #tpu.memory_space<vmem>>, %arg12: memref<!tpu.dma_semaphore, #tpu.memory_space<semaphore_mem>>, %arg13: memref<!tpu.dma_semaphore, #tpu.memory_space<semaphore_mem>>, %arg14: memref<!tpu.dma_semaphore, #tpu.memory_space<semaphore_mem>>, %arg15: memref<!tpu.dma_semaphore, #tpu.memory_space<semaphore_mem>>) attributes {dimension_semantics = [#tpu.dimension_semantics<core_parallel>, #tpu.dimension_semantics<subcore_parallel>], iteration_bounds = array<i64: 2, 16>, scalar_prefetch = 0 : i64, scratch_operands = 9 : i64, tpu.core_type = #tpu.core_type<sc_vector_subcore>, window_params = [{transform_indices = #map}, {transform_indices = #map}, {transform_indices = #map}, {transform_indices = #map}, {transform_indices = #map}]} {
    %mul3A = arith.constant 632 : i32
    %mul3A_0 = arith.muli %arg1, %mul3A : i32
    %mul3A_1 = arith.constant 632 : i32
    %mul3A_2 = arith.muli %arg1, %mul3A_1 : i32
    "tpu.region"() ({
      %run_scoped3A = tpu.sem_alloc : memref<!tpu.dma_semaphore, #tpu.memory_space<semaphore_mem>>
      %dma_start3A = arith.constant 0 : i32
      %dma_start3A_14 = tpu.memref_slice %arg7[%mul3A_2, %dma_start3A] : memref<10112x128xf32, #tpu.memory_space<vmem_shared>> -> memref<632x128xf32, #tpu.memory_space<vmem_shared>>
      %dma_start3A_15 = arith.constant 0 : i32
      %dma_start3A_16 = tpu.memref_slice %arg5[%mul3A_0, %dma_start3A_15] : memref<10112x128xf32, #tpu.memory_space<hbm>> -> memref<632x128xf32, #tpu.memory_space<hbm>>
      tpu.enqueue_dma source(%dma_start3A_16 : memref<632x128xf32, #tpu.memory_space<hbm>>) target(%dma_start3A_14 : memref<632x128xf32, #tpu.memory_space<vmem_shared>>) target_semaphore(%run_scoped3A : memref<!tpu.dma_semaphore, #tpu.memory_space<semaphore_mem>>)
      %dma_wait3A = arith.constant 0 : i32
      %dma_wait3A_17 = tpu.memref_slice %arg7[%mul3A_2, %dma_wait3A] : memref<10112x128xf32, #tpu.memory_space<vmem_shared>> -> memref<632x128xf32, #tpu.memory_space<vmem_shared>>
      %dma_wait3A_18 = arith.constant 0 : i32
      %dma_wait3A_19 = tpu.memref_slice %arg5[%mul3A_0, %dma_wait3A_18] : memref<10112x128xf32, #tpu.memory_space<hbm>> -> memref<632x128xf32, #tpu.memory_space<hbm>>
      tpu.wait_dma2 semaphore(%run_scoped3A : memref<!tpu.dma_semaphore, #tpu.memory_space<semaphore_mem>>) src(%dma_wait3A_19 : memref<632x128xf32, #tpu.memory_space<hbm>>) dst(%dma_wait3A_17 : memref<632x128xf32, #tpu.memory_space<vmem_shared>>)
      tpu.yield
    }) : () -> ()
    %barrier3A = arith.constant 0 : index
    tpu.barrier barrier_id(%barrier3A)
    %scan3A = arith.constant 0 : i32
    %scan3A_3 = arith.constant 4 : i32
    %scan3A_4 = arith.addi %scan3A, %scan3A_3 : i32
    %scan3A_5 = arith.constant 1 : i32
    scf.for %scan3A_14 = %scan3A to %scan3A_4 step %scan3A_5  : i32 {
      %mul3A_15 = arith.constant 1 : i32
      %mul3A_16 = arith.muli %scan3A_14, %mul3A_15 : i32
      %add3A_17 = arith.constant 0 : i32
      %add3A_18 = arith.addi %add3A_17, %mul3A_16 : i32
      %mul3A_19 = arith.constant 16 : i32
      %mul3A_20 = arith.muli %arg0, %mul3A_19 : i32
      %add3A_21 = arith.addi %mul3A_20, %arg1 : i32
      %mul3A_22 = arith.constant 160 : i32
      %mul3A_23 = arith.muli %add3A_21, %mul3A_22 : i32
      %mul3A_24 = arith.constant 40 : i32
      %mul3A_25 = arith.muli %add3A_18, %mul3A_24 : i32
      %add3A_26 = arith.addi %mul3A_23, %mul3A_25 : i32
      "tpu.region"() ({
        %run_scoped3A = tpu.sem_alloc : memref<!tpu.dma_semaphore, #tpu.memory_space<semaphore_mem>>
        %dma_start3A_50 = arith.constant 0 : i32
        %dma_start3A_51 = tpu.memref_slice %arg3[%add3A_26, %dma_start3A_50] : memref<5120x128xi32, #tpu.memory_space<hbm>> -> memref<40x128xi32, #tpu.memory_space<hbm>>
        %dma_start3A_52 = arith.constant 0 : i32
        %dma_start3A_53 = tpu.memref_slice %arg3[%add3A_26, %dma_start3A_52] : memref<5120x128xi32, #tpu.memory_space<hbm>> -> memref<40x128xi32, #tpu.memory_space<hbm>>
        tpu.enqueue_dma source(%dma_start3A_53 : memref<40x128xi32, #tpu.memory_space<hbm>>) target(%arg8 : memref<40x128xi32, #tpu.memory_space<vmem>>) target_semaphore(%run_scoped3A : memref<!tpu.dma_semaphore, #tpu.memory_space<semaphore_mem>>)
        %dma_wait3A = arith.constant 0 : i32
        %dma_wait3A_54 = tpu.memref_slice %arg3[%add3A_26, %dma_wait3A] : memref<5120x128xi32, #tpu.memory_space<hbm>> -> memref<40x128xi32, #tpu.memory_space<hbm>>
        %dma_wait3A_55 = arith.constant 0 : i32
        %dma_wait3A_56 = tpu.memref_slice %arg3[%add3A_26, %dma_wait3A_55] : memref<5120x128xi32, #tpu.memory_space<hbm>> -> memref<40x128xi32, #tpu.memory_space<hbm>>
        tpu.wait_dma2 semaphore(%run_scoped3A : memref<!tpu.dma_semaphore, #tpu.memory_space<semaphore_mem>>) src(%dma_wait3A_56 : memref<40x128xi32, #tpu.memory_space<hbm>>) dst(%arg8 : memref<40x128xi32, #tpu.memory_space<vmem>>)
        tpu.yield
      }) : () -> ()
      %mul3A_27 = arith.constant 160 : i32
      %mul3A_28 = arith.muli %arg1, %mul3A_27 : i32
      %mul3A_29 = arith.constant 40 : i32
      %mul3A_30 = arith.muli %add3A_18, %mul3A_29 : i32
      %add3A_31 = arith.addi %mul3A_28, %mul3A_30 : i32
      "tpu.region"() ({
        %run_scoped3A = tpu.sem_alloc : memref<!tpu.dma_semaphore, #tpu.memory_space<semaphore_mem>>
        %dma_start3A_50 = arith.constant 0 : i32
        %dma_start3A_51 = tpu.memref_slice %arg4[%add3A_31, %dma_start3A_50] : memref<2560x128xi32, #tpu.memory_space<hbm>> -> memref<40x128xi32, #tpu.memory_space<hbm>>
        %dma_start3A_52 = arith.constant 0 : i32
        %dma_start3A_53 = tpu.memref_slice %arg4[%add3A_31, %dma_start3A_52] : memref<2560x128xi32, #tpu.memory_space<hbm>> -> memref<40x128xi32, #tpu.memory_space<hbm>>
        tpu.enqueue_dma source(%dma_start3A_53 : memref<40x128xi32, #tpu.memory_space<hbm>>) target(%arg9 : memref<40x128xi32, #tpu.memory_space<vmem>>) target_semaphore(%run_scoped3A : memref<!tpu.dma_semaphore, #tpu.memory_space<semaphore_mem>>)
        %dma_wait3A = arith.constant 0 : i32
        %dma_wait3A_54 = tpu.memref_slice %arg4[%add3A_31, %dma_wait3A] : memref<2560x128xi32, #tpu.memory_space<hbm>> -> memref<40x128xi32, #tpu.memory_space<hbm>>
        %dma_wait3A_55 = arith.constant 0 : i32
        %dma_wait3A_56 = tpu.memref_slice %arg4[%add3A_31, %dma_wait3A_55] : memref<2560x128xi32, #tpu.memory_space<hbm>> -> memref<40x128xi32, #tpu.memory_space<hbm>>
        tpu.wait_dma2 semaphore(%run_scoped3A : memref<!tpu.dma_semaphore, #tpu.memory_space<semaphore_mem>>) src(%dma_wait3A_56 : memref<40x128xi32, #tpu.memory_space<hbm>>) dst(%arg9 : memref<40x128xi32, #tpu.memory_space<vmem>>)
        tpu.yield
      }) : () -> ()
      %dma_start3A = arith.constant 0 : i32
      %dma_start3A_32 = arith.constant 0 : i32
      %dma_start3A_33 = tpu.memref_slice %arg8[%dma_start3A, %dma_start3A_32] : memref<40x128xi32, #tpu.memory_space<vmem>> -> memref<1x128xi32, #tpu.memory_space<vmem>>
      %dma_start3A_34 = tpu.memref_squeeze %dma_start3A_33 : memref<1x128xi32, #tpu.memory_space<vmem>> -> memref<128xi32, #tpu.memory_space<vmem>>
      %dma_start3A_35 = arith.constant 0 : i32
      %dma_start3A_36 = arith.constant 0 : i32
      %dma_start3A_37 = tpu.memref_slice %arg2[%dma_start3A_35, %dma_start3A_36] : memref<20000x128xf32, #tpu.memory_space<hbm>> -> memref<20000x128xf32, #tpu.memory_space<hbm>>
      tpu.enqueue_indirect_dma source(%dma_start3A_37 : memref<20000x128xf32, #tpu.memory_space<hbm>>) target(%arg10 : memref<128x128xf32, #tpu.memory_space<vmem>>) offsets(%dma_start3A_34 : memref<128xi32, #tpu.memory_space<vmem>>) semaphore(%arg12 : memref<!tpu.dma_semaphore, #tpu.memory_space<semaphore_mem>>)
      %dma_start3A_38 = arith.constant 1 : i32
      %dma_start3A_39 = arith.constant 0 : i32
      %dma_start3A_40 = tpu.memref_slice %arg8[%dma_start3A_38, %dma_start3A_39] : memref<40x128xi32, #tpu.memory_space<vmem>> -> memref<1x128xi32, #tpu.memory_space<vmem>>
      %dma_start3A_41 = tpu.memref_squeeze %dma_start3A_40 : memref<1x128xi32, #tpu.memory_space<vmem>> -> memref<128xi32, #tpu.memory_space<vmem>>
      %dma_start3A_42 = arith.constant 0 : i32
      %dma_start3A_43 = arith.constant 0 : i32
      %dma_start3A_44 = tpu.memref_slice %arg2[%dma_start3A_42, %dma_start3A_43] : memref<20000x128xf32, #tpu.memory_space<hbm>> -> memref<20000x128xf32, #tpu.memory_space<hbm>>
      tpu.enqueue_indirect_dma source(%dma_start3A_44 : memref<20000x128xf32, #tpu.memory_space<hbm>>) target(%arg11 : memref<128x128xf32, #tpu.memory_space<vmem>>) offsets(%dma_start3A_41 : memref<128xi32, #tpu.memory_space<vmem>>) semaphore(%arg13 : memref<!tpu.dma_semaphore, #tpu.memory_space<semaphore_mem>>)
      %scan3A_45 = arith.constant 0 : i32
      %scan3A_46 = arith.constant 20 : i32
      %scan3A_47 = arith.addi %scan3A_45, %scan3A_46 : i32
      %scan3A_48 = arith.constant 1 : i32
      scf.for %scan3A_50 = %scan3A_45 to %scan3A_47 step %scan3A_48  : i32 {
        %mul3A_51 = arith.constant 1 : i32
        %mul3A_52 = arith.muli %scan3A_50, %mul3A_51 : i32
        %add3A_53 = arith.constant 0 : i32
        %add3A_54 = arith.addi %add3A_53, %mul3A_52 : i32
        %mul3A_55 = arith.constant 2 : i32
        %mul3A_56 = arith.muli %add3A_54, %mul3A_55 : i32
        %add3A_57 = arith.constant 0 : i32
        %add3A_58 = arith.addi %mul3A_56, %add3A_57 : i32
        %dma_wait3A = arith.constant 0 : i32
        %dma_wait3A_59 = tpu.memref_slice %arg8[%add3A_58, %dma_wait3A] : memref<40x128xi32, #tpu.memory_space<vmem>> -> memref<1x128xi32, #tpu.memory_space<vmem>>
        %dma_wait3A_60 = tpu.memref_squeeze %dma_wait3A_59 : memref<1x128xi32, #tpu.memory_space<vmem>> -> memref<128xi32, #tpu.memory_space<vmem>>
        %dma_wait3A_61 = arith.constant 0 : i32
        %dma_wait3A_62 = arith.constant 0 : i32
        %dma_wait3A_63 = tpu.memref_slice %arg2[%dma_wait3A_61, %dma_wait3A_62] : memref<20000x128xf32, #tpu.memory_space<hbm>> -> memref<20000x128xf32, #tpu.memory_space<hbm>>
        tpu.wait_indirect_dma semaphore(%arg12 : memref<!tpu.dma_semaphore, #tpu.memory_space<semaphore_mem>>) src(%dma_wait3A_63 : memref<20000x128xf32, #tpu.memory_space<hbm>>) dst(%arg10 : memref<128x128xf32, #tpu.memory_space<vmem>>)
        %add3A_64 = arith.constant 0 : i32
        %add3A_65 = arith.addi %mul3A_56, %add3A_64 : i32
        %dma_start3A_66 = arith.constant 0 : i32
        %dma_start3A_67 = tpu.memref_slice %arg9[%add3A_65, %dma_start3A_66] : memref<40x128xi32, #tpu.memory_space<vmem>> -> memref<1x128xi32, #tpu.memory_space<vmem>>
        %dma_start3A_68 = tpu.memref_squeeze %dma_start3A_67 : memref<1x128xi32, #tpu.memory_space<vmem>> -> memref<128xi32, #tpu.memory_space<vmem>>
        %dma_start3A_69 = arith.constant 0 : i32
        %dma_start3A_70 = arith.constant 0 : i32
        %dma_start3A_71 = tpu.memref_slice %arg7[%dma_start3A_69, %dma_start3A_70] : memref<10112x128xf32, #tpu.memory_space<vmem_shared>> -> memref<10112x128xf32, #tpu.memory_space<vmem_shared>>
        tpu.enqueue_indirect_dma source(%arg10 : memref<128x128xf32, #tpu.memory_space<vmem>>) target(%dma_start3A_71 : memref<10112x128xf32, #tpu.memory_space<vmem_shared>>) offsets(%dma_start3A_68 : memref<128xi32, #tpu.memory_space<vmem>>) semaphore(%arg14 : memref<!tpu.dma_semaphore, #tpu.memory_space<semaphore_mem>>) {add = true}
        %add3A_72 = arith.constant 1 : i32
        %add3A_73 = arith.addi %mul3A_56, %add3A_72 : i32
        %dma_wait3A_74 = arith.constant 0 : i32
        %dma_wait3A_75 = tpu.memref_slice %arg8[%add3A_73, %dma_wait3A_74] : memref<40x128xi32, #tpu.memory_space<vmem>> -> memref<1x128xi32, #tpu.memory_space<vmem>>
        %dma_wait3A_76 = tpu.memref_squeeze %dma_wait3A_75 : memref<1x128xi32, #tpu.memory_space<vmem>> -> memref<128xi32, #tpu.memory_space<vmem>>
        %dma_wait3A_77 = arith.constant 0 : i32
        %dma_wait3A_78 = arith.constant 0 : i32
        %dma_wait3A_79 = tpu.memref_slice %arg2[%dma_wait3A_77, %dma_wait3A_78] : memref<20000x128xf32, #tpu.memory_space<hbm>> -> memref<20000x128xf32, #tpu.memory_space<hbm>>
        tpu.wait_indirect_dma semaphore(%arg13 : memref<!tpu.dma_semaphore, #tpu.memory_space<semaphore_mem>>) src(%dma_wait3A_79 : memref<20000x128xf32, #tpu.memory_space<hbm>>) dst(%arg11 : memref<128x128xf32, #tpu.memory_space<vmem>>)
        %add3A_80 = arith.constant 1 : i32
        %add3A_81 = arith.addi %mul3A_56, %add3A_80 : i32
        %dma_start3A_82 = arith.constant 0 : i32
        %dma_start3A_83 = tpu.memref_slice %arg9[%add3A_81, %dma_start3A_82] : memref<40x128xi32, #tpu.memory_space<vmem>> -> memref<1x128xi32, #tpu.memory_space<vmem>>
        %dma_start3A_84 = tpu.memref_squeeze %dma_start3A_83 : memref<1x128xi32, #tpu.memory_space<vmem>> -> memref<128xi32, #tpu.memory_space<vmem>>
        %dma_start3A_85 = arith.constant 0 : i32
        %dma_start3A_86 = arith.constant 0 : i32
        %dma_start3A_87 = tpu.memref_slice %arg7[%dma_start3A_85, %dma_start3A_86] : memref<10112x128xf32, #tpu.memory_space<vmem_shared>> -> memref<10112x128xf32, #tpu.memory_space<vmem_shared>>
        tpu.enqueue_indirect_dma source(%arg11 : memref<128x128xf32, #tpu.memory_space<vmem>>) target(%dma_start3A_87 : memref<10112x128xf32, #tpu.memory_space<vmem_shared>>) offsets(%dma_start3A_84 : memref<128xi32, #tpu.memory_space<vmem>>) semaphore(%arg15 : memref<!tpu.dma_semaphore, #tpu.memory_space<semaphore_mem>>) {add = true}
        %add3A_88 = arith.constant 0 : i32
        %add3A_89 = arith.addi %mul3A_56, %add3A_88 : i32
        %dma_wait3A_90 = arith.constant 0 : i32
        %dma_wait3A_91 = tpu.memref_slice %arg9[%add3A_89, %dma_wait3A_90] : memref<40x128xi32, #tpu.memory_space<vmem>> -> memref<1x128xi32, #tpu.memory_space<vmem>>
        %dma_wait3A_92 = tpu.memref_squeeze %dma_wait3A_91 : memref<1x128xi32, #tpu.memory_space<vmem>> -> memref<128xi32, #tpu.memory_space<vmem>>
        %dma_wait3A_93 = arith.constant 0 : i32
        %dma_wait3A_94 = arith.constant 0 : i32
        %dma_wait3A_95 = tpu.memref_slice %arg7[%dma_wait3A_93, %dma_wait3A_94] : memref<10112x128xf32, #tpu.memory_space<vmem_shared>> -> memref<10112x128xf32, #tpu.memory_space<vmem_shared>>
        tpu.wait_indirect_dma semaphore(%arg14 : memref<!tpu.dma_semaphore, #tpu.memory_space<semaphore_mem>>) src(%arg10 : memref<128x128xf32, #tpu.memory_space<vmem>>) dst(%dma_wait3A_95 : memref<10112x128xf32, #tpu.memory_space<vmem_shared>>)
        %lt3A = arith.constant 19 : i32
        %lt3A_96 = arith.cmpi slt, %add3A_54, %lt3A : i32
        %convert_element_type3A = arith.extui %lt3A_96 : i1 to i32
        %cond3A = arith.constant 0 : i32
        %cond3A_97 = arith.cmpi ne, %convert_element_type3A, %cond3A : i32
        scf.if %cond3A_97 {
          %add3A_111 = arith.constant 2 : i32
          %add3A_112 = arith.addi %mul3A_56, %add3A_111 : i32
          %add3A_113 = arith.constant 0 : i32
          %add3A_114 = arith.addi %add3A_112, %add3A_113 : i32
          %dma_start3A_115 = arith.constant 0 : i32
          %dma_start3A_116 = tpu.memref_slice %arg8[%add3A_114, %dma_start3A_115] : memref<40x128xi32, #tpu.memory_space<vmem>> -> memref<1x128xi32, #tpu.memory_space<vmem>>
          %dma_start3A_117 = tpu.memref_squeeze %dma_start3A_116 : memref<1x128xi32, #tpu.memory_space<vmem>> -> memref<128xi32, #tpu.memory_space<vmem>>
          %dma_start3A_118 = arith.constant 0 : i32
          %dma_start3A_119 = arith.constant 0 : i32
          %dma_start3A_120 = tpu.memref_slice %arg2[%dma_start3A_118, %dma_start3A_119] : memref<20000x128xf32, #tpu.memory_space<hbm>> -> memref<20000x128xf32, #tpu.memory_space<hbm>>
          tpu.enqueue_indirect_dma source(%dma_start3A_120 : memref<20000x128xf32, #tpu.memory_space<hbm>>) target(%arg10 : memref<128x128xf32, #tpu.memory_space<vmem>>) offsets(%dma_start3A_117 : memref<128xi32, #tpu.memory_space<vmem>>) semaphore(%arg12 : memref<!tpu.dma_semaphore, #tpu.memory_space<semaphore_mem>>)
        } else {
        }
        %add3A_98 = arith.constant 1 : i32
        %add3A_99 = arith.addi %mul3A_56, %add3A_98 : i32
        %dma_wait3A_100 = arith.constant 0 : i32
        %dma_wait3A_101 = tpu.memref_slice %arg9[%add3A_99, %dma_wait3A_100] : memref<40x128xi32, #tpu.memory_space<vmem>> -> memref<1x128xi32, #tpu.memory_space<vmem>>
        %dma_wait3A_102 = tpu.memref_squeeze %dma_wait3A_101 : memref<1x128xi32, #tpu.memory_space<vmem>> -> memref<128xi32, #tpu.memory_space<vmem>>
        %dma_wait3A_103 = arith.constant 0 : i32
        %dma_wait3A_104 = arith.constant 0 : i32
        %dma_wait3A_105 = tpu.memref_slice %arg7[%dma_wait3A_103, %dma_wait3A_104] : memref<10112x128xf32, #tpu.memory_space<vmem_shared>> -> memref<10112x128xf32, #tpu.memory_space<vmem_shared>>
        tpu.wait_indirect_dma semaphore(%arg15 : memref<!tpu.dma_semaphore, #tpu.memory_space<semaphore_mem>>) src(%arg11 : memref<128x128xf32, #tpu.memory_space<vmem>>) dst(%dma_wait3A_105 : memref<10112x128xf32, #tpu.memory_space<vmem_shared>>)
        %lt3A_106 = arith.constant 19 : i32
        %lt3A_107 = arith.cmpi slt, %add3A_54, %lt3A_106 : i32
        %convert_element_type3A_108 = arith.extui %lt3A_107 : i1 to i32
        %cond3A_109 = arith.constant 0 : i32
        %cond3A_110 = arith.cmpi ne, %convert_element_type3A_108, %cond3A_109 : i32
        scf.if %cond3A_110 {
          %add3A_111 = arith.constant 2 : i32
          %add3A_112 = arith.addi %mul3A_56, %add3A_111 : i32
          %add3A_113 = arith.constant 1 : i32
          %add3A_114 = arith.addi %add3A_112, %add3A_113 : i32
          %dma_start3A_115 = arith.constant 0 : i32
          %dma_start3A_116 = tpu.memref_slice %arg8[%add3A_114, %dma_start3A_115] : memref<40x128xi32, #tpu.memory_space<vmem>> -> memref<1x128xi32, #tpu.memory_space<vmem>>
          %dma_start3A_117 = tpu.memref_squeeze %dma_start3A_116 : memref<1x128xi32, #tpu.memory_space<vmem>> -> memref<128xi32, #tpu.memory_space<vmem>>
          %dma_start3A_118 = arith.constant 0 : i32
          %dma_start3A_119 = arith.constant 0 : i32
          %dma_start3A_120 = tpu.memref_slice %arg2[%dma_start3A_118, %dma_start3A_119] : memref<20000x128xf32, #tpu.memory_space<hbm>> -> memref<20000x128xf32, #tpu.memory_space<hbm>>
          tpu.enqueue_indirect_dma source(%dma_start3A_120 : memref<20000x128xf32, #tpu.memory_space<hbm>>) target(%arg11 : memref<128x128xf32, #tpu.memory_space<vmem>>) offsets(%dma_start3A_117 : memref<128xi32, #tpu.memory_space<vmem>>) semaphore(%arg13 : memref<!tpu.dma_semaphore, #tpu.memory_space<semaphore_mem>>)
        } else {
        }
      }
      %scan3A_49 = arith.constant 20 : i32
    }
    %scan3A_6 = arith.constant 4 : i32
    %barrier3A_7 = arith.constant 0 : index
    tpu.barrier barrier_id(%barrier3A_7)
    %mul3A_8 = arith.constant 632 : i32
    %mul3A_9 = arith.muli %arg1, %mul3A_8 : i32
    %mul3A_10 = arith.constant 10112 : i32
    %mul3A_11 = arith.muli %arg0, %mul3A_10 : i32
    %mul3A_12 = arith.constant 632 : i32
    %mul3A_13 = arith.muli %arg1, %mul3A_12 : i32
    %add3A = arith.addi %mul3A_11, %mul3A_13 : i32
    "tpu.region"() ({
      %run_scoped3A = tpu.sem_alloc : memref<!tpu.dma_semaphore, #tpu.memory_space<semaphore_mem>>
      %dma_start3A = arith.constant 0 : i32
      %dma_start3A_14 = tpu.memref_slice %arg6[%add3A, %dma_start3A] : memref<20224x128xf32, #tpu.memory_space<hbm>> -> memref<632x128xf32, #tpu.memory_space<hbm>>
      %dma_start3A_15 = arith.constant 0 : i32
      %dma_start3A_16 = tpu.memref_slice %arg7[%mul3A_9, %dma_start3A_15] : memref<10112x128xf32, #tpu.memory_space<vmem_shared>> -> memref<632x128xf32, #tpu.memory_space<vmem_shared>>
      tpu.enqueue_dma source(%dma_start3A_16 : memref<632x128xf32, #tpu.memory_space<vmem_shared>>) target(%dma_start3A_14 : memref<632x128xf32, #tpu.memory_space<hbm>>) target_semaphore(%run_scoped3A : memref<!tpu.dma_semaphore, #tpu.memory_space<semaphore_mem>>)
      %dma_wait3A = arith.constant 0 : i32
      %dma_wait3A_17 = tpu.memref_slice %arg6[%add3A, %dma_wait3A] : memref<20224x128xf32, #tpu.memory_space<hbm>> -> memref<632x128xf32, #tpu.memory_space<hbm>>
      %dma_wait3A_18 = arith.constant 0 : i32
      %dma_wait3A_19 = tpu.memref_slice %arg7[%mul3A_9, %dma_wait3A_18] : memref<10112x128xf32, #tpu.memory_space<vmem_shared>> -> memref<632x128xf32, #tpu.memory_space<vmem_shared>>
      tpu.wait_dma2 semaphore(%run_scoped3A : memref<!tpu.dma_semaphore, #tpu.memory_space<semaphore_mem>>) src(%dma_wait3A_19 : memref<632x128xf32, #tpu.memory_space<vmem_shared>>) dst(%dma_wait3A_17 : memref<632x128xf32, #tpu.memory_space<hbm>>)
      tpu.yield
    }) : () -> ()
    return
  }
}

module attributes {stable_mosaic.version = 14 : i64} {
  func.func @_tc_h_body(%arg0: i32, %arg1: memref<1000x128xf32, #tpu.memory_space<vmem>>, %arg2: memref<128x256xf32, #tpu.memory_space<vmem>>, %arg3: memref<1x256xf32, #tpu.memory_space<vmem>>, %arg4: memref<1000x256xf32, #tpu.memory_space<vmem>>) attributes {dimension_semantics = [#tpu.dimension_semantics<arbitrary>], iteration_bounds = array<i64: 10>, scalar_prefetch = 0 : i64, scratch_operands = 0 : i64, tpu.core_type = #tpu.core_type<tc>, window_params = [{transform_indices = @transform_0, window_bounds = array<i64: 1000, 128>}, {pipeline_mode = #tpu.pipeline_mode<synchronous>, transform_indices = @transform_1, window_bounds = array<i64: 128, 256>}, {pipeline_mode = #tpu.pipeline_mode<synchronous>, transform_indices = @transform_2, window_bounds = array<i64: 1, 256>}, {transform_indices = @transform_3, window_bounds = array<i64: 1000, 256>}]} {
    %get3A = arith.constant 0 : index
    %get3A_0 = arith.constant 0 : index
    %get3A_1 = vector.load %arg1[%get3A, %get3A_0] : memref<1000x128xf32, #tpu.memory_space<vmem>>, vector<1000x128xf32>
    %get3A_2 = arith.constant 0 : index
    %get3A_3 = arith.constant 0 : index
    %get3A_4 = vector.load %arg2[%get3A_2, %get3A_3] : memref<128x256xf32, #tpu.memory_space<vmem>>, vector<128x256xf32>
    %dot_general3A = arith.constant dense<0.000000e+00> : vector<1000x256xf32>
    %dot_general3A_5 = tpu.matmul %get3A_1, %get3A_4, %dot_general3A {dimension_numbers = #tpu.dot_dimension_numbers<[1], [0], [0], [1], [0, 0, 1, 1], [], []>, transpose_lhs_hint = false} : vector<1000x128xf32>, vector<128x256xf32>, vector<1000x256xf32> -> vector<1000x256xf32>
    %get3A_6 = arith.constant 0 : index
    %get3A_7 = arith.constant 0 : index
    %get3A_8 = vector.load %arg3[%get3A_6, %get3A_7] : memref<1x256xf32, #tpu.memory_space<vmem>>, vector<1x256xf32>
    %add3A = vector.broadcast %get3A_8 : vector<1x256xf32> to vector<1000x256xf32>
    %add3A_9 = arith.addf %dot_general3A_5, %add3A : vector<1000x256xf32>
    %max3A = arith.constant 0.000000e+00 : f32
    %max3A_10 = vector.broadcast %max3A : f32 to vector<1000x256xf32>
    %max3A_11 = arith.maximumf %add3A_9, %max3A_10 : vector<1000x256xf32>
    %swap3A = arith.constant 0 : index
    %swap3A_12 = arith.constant 0 : index
    %swap3A_13 = vector.load %arg4[%swap3A, %swap3A_12] : memref<1000x256xf32, #tpu.memory_space<vmem>>, vector<1000x256xf32>
    tpu.vector_store %arg4[%swap3A, %swap3A_12], %max3A_11 {strides = array<i32>} : memref<1000x256xf32, #tpu.memory_space<vmem>>, vector<1000x256xf32>,
    return
  }
  func.func @transform_0(%arg0: i32) -> (i32, i32) {
    %c0_i32 = arith.constant 0 : i32
    %c0_i32_0 = arith.constant 0 : i32
    return %arg0, %c0_i32 : i32, i32
  }
  func.func @transform_1(%arg0: i32) -> (i32, i32) {
    %c0_i32 = arith.constant 0 : i32
    %c0_i32_0 = arith.constant 0 : i32
    %c0_i32_1 = arith.constant 0 : i32
    return %c0_i32, %c0_i32_0 : i32, i32
  }
  func.func @transform_2(%arg0: i32) -> (i32, i32) {
    %c0_i32 = arith.constant 0 : i32
    %c0_i32_0 = arith.constant 0 : i32
    %c0_i32_1 = arith.constant 0 : i32
    return %c0_i32, %c0_i32_0 : i32, i32
  }
  func.func @transform_3(%arg0: i32) -> (i32, i32) {
    %c0_i32 = arith.constant 0 : i32
    %c0_i32_0 = arith.constant 0 : i32
    return %arg0, %c0_i32 : i32, i32
  }
}

module attributes {stable_mosaic.version = 14 : i64} {
  func.func @_tc_y_body(%arg0: i32, %arg1: memref<1000x256xf32, #tpu.memory_space<vmem>>, %arg2: memref<256x256xf32, #tpu.memory_space<vmem>>, %arg3: memref<2x1000x128xf32, #tpu.memory_space<vmem>>, %arg4: memref<2x1000x128xf32, #tpu.memory_space<vmem>>) attributes {dimension_semantics = [#tpu.dimension_semantics<arbitrary>], iteration_bounds = array<i64: 10>, scalar_prefetch = 0 : i64, scratch_operands = 0 : i64, tpu.core_type = #tpu.core_type<tc>, window_params = [{transform_indices = @transform_0, window_bounds = array<i64: 1000, 256>}, {pipeline_mode = #tpu.pipeline_mode<synchronous>, transform_indices = @transform_1, window_bounds = array<i64: 256, 256>}, {transform_indices = @transform_2, window_bounds = array<i64: 2, 1000, 128>}, {transform_indices = @transform_3, window_bounds = array<i64: 2, 1000, 128>}]} {
    %get3A = arith.constant 0 : index
    %get3A_0 = arith.constant 0 : index
    %get3A_1 = arith.constant 0 : index
    %get3A_2 = vector.load %arg3[%get3A, %get3A_0, %get3A_1] : memref<2x1000x128xf32, #tpu.memory_space<vmem>>, vector<1x1000x128xf32>
    %get3A_3 = vector.shape_cast %get3A_2 : vector<1x1000x128xf32> to vector<1000x128xf32>
    %slice3A = vector.extract_strided_slice %get3A_3 {offsets = [0, 0], sizes = [1000, 1], strides = [1, 1]} : vector<1000x128xf32> to vector<1000x1xf32>
    %get3A_4 = arith.constant 1 : index
    %get3A_5 = arith.constant 0 : index
    %get3A_6 = arith.constant 0 : index
    %get3A_7 = vector.load %arg3[%get3A_4, %get3A_5, %get3A_6] : memref<2x1000x128xf32, #tpu.memory_space<vmem>>, vector<1x1000x128xf32>
    %get3A_8 = vector.shape_cast %get3A_7 : vector<1x1000x128xf32> to vector<1000x128xf32>
    %slice3A_9 = vector.extract_strided_slice %get3A_8 {offsets = [0, 0], sizes = [1000, 1], strides = [1, 1]} : vector<1000x128xf32> to vector<1000x1xf32>
    %add3A = arith.addf %slice3A, %slice3A_9 : vector<1000x1xf32>
    %add3A_10 = arith.constant 1.000000e+00 : f32
    %add3A_11 = vector.broadcast %add3A_10 : f32 to vector<1000x1xf32>
    %add3A_12 = arith.addf %add3A, %add3A_11 : vector<1000x1xf32>
    %rsqrt3A = math.rsqrt %add3A_12 : vector<1000x1xf32>
    %get3A_13 = arith.constant 0 : index
    %get3A_14 = arith.constant 0 : index
    %get3A_15 = vector.load %arg1[%get3A_13, %get3A_14] : memref<1000x256xf32, #tpu.memory_space<vmem>>, vector<1000x256xf32>
    %get3A_16 = arith.constant 0 : index
    %get3A_17 = arith.constant 0 : index
    %get3A_18 = vector.load %arg2[%get3A_16, %get3A_17] : memref<256x256xf32, #tpu.memory_space<vmem>>, vector<256x256xf32>
    %dot_general3A = arith.constant dense<0.000000e+00> : vector<1000x256xf32>
    %dot_general3A_19 = tpu.matmul %get3A_15, %get3A_18, %dot_general3A {dimension_numbers = #tpu.dot_dimension_numbers<[1], [0], [0], [1], [0, 0, 1, 1], [], []>, transpose_lhs_hint = false} : vector<1000x256xf32>, vector<256x256xf32>, vector<1000x256xf32> -> vector<1000x256xf32>
    %mul3A = vector.broadcast %rsqrt3A : vector<1000x1xf32> to vector<1000x256xf32>
    %mul3A_20 = arith.mulf %dot_general3A_19, %mul3A : vector<1000x256xf32>
    %slice3A_21 = vector.extract_strided_slice %mul3A_20 {offsets = [0, 0], sizes = [1000, 128], strides = [1, 1]} : vector<1000x256xf32> to vector<1000x128xf32>
    %swap3A = arith.constant 0 : index
    %swap3A_22 = arith.constant 0 : index
    %swap3A_23 = arith.constant 0 : index
    %swap3A_24 = vector.load %arg4[%swap3A, %swap3A_22, %swap3A_23] : memref<2x1000x128xf32, #tpu.memory_space<vmem>>, vector<1x1000x128xf32>
    %swap3A_25 = vector.shape_cast %swap3A_24 : vector<1x1000x128xf32> to vector<1000x128xf32>
    %swap3A_26 = vector.shape_cast %slice3A_21 : vector<1000x128xf32> to vector<1x1000x128xf32>
    tpu.vector_store %arg4[%swap3A, %swap3A_22, %swap3A_23], %swap3A_26 {strides = array<i32>} : memref<2x1000x128xf32, #tpu.memory_space<vmem>>, vector<1x1000x128xf32>,
    %slice3A_27 = vector.extract_strided_slice %mul3A_20 {offsets = [0, 128], sizes = [1000, 128], strides = [1, 1]} : vector<1000x256xf32> to vector<1000x128xf32>
    %swap3A_28 = arith.constant 1 : index
    %swap3A_29 = arith.constant 0 : index
    %swap3A_30 = arith.constant 0 : index
    %swap3A_31 = vector.load %arg4[%swap3A_28, %swap3A_29, %swap3A_30] : memref<2x1000x128xf32, #tpu.memory_space<vmem>>, vector<1x1000x128xf32>
    %swap3A_32 = vector.shape_cast %swap3A_31 : vector<1x1000x128xf32> to vector<1000x128xf32>
    %swap3A_33 = vector.shape_cast %slice3A_27 : vector<1000x128xf32> to vector<1x1000x128xf32>
    tpu.vector_store %arg4[%swap3A_28, %swap3A_29, %swap3A_30], %swap3A_33 {strides = array<i32>} : memref<2x1000x128xf32, #tpu.memory_space<vmem>>, vector<1x1000x128xf32>,
    return
  }
  func.func @transform_0(%arg0: i32) -> (i32, i32) {
    %c0_i32 = arith.constant 0 : i32
    %c0_i32_0 = arith.constant 0 : i32
    return %arg0, %c0_i32 : i32, i32
  }
  func.func @transform_1(%arg0: i32) -> (i32, i32) {
    %c0_i32 = arith.constant 0 : i32
    %c0_i32_0 = arith.constant 0 : i32
    %c0_i32_1 = arith.constant 0 : i32
    return %c0_i32, %c0_i32_0 : i32, i32
  }
  func.func @transform_2(%arg0: i32) -> (i32, i32, i32) {
    %c0_i32 = arith.constant 0 : i32
    %c0_i32_0 = arith.constant 0 : i32
    %c0_i32_1 = arith.constant 0 : i32
    return %c0_i32, %arg0, %c0_i32_0 : i32, i32, i32
  }
  func.func @transform_3(%arg0: i32) -> (i32, i32, i32) {
    %c0_i32 = arith.constant 0 : i32
    %c0_i32_0 = arith.constant 0 : i32
    %c0_i32_1 = arith.constant 0 : i32
    return %c0_i32, %arg0, %c0_i32_0 : i32, i32, i32
  }
}

module attributes {stable_mosaic.version = 14 : i64} {
  func.func @_tc_mid_body(%arg0: i32, %arg1: memref<1000x256xf32, #tpu.memory_space<vmem>>, %arg2: memref<2x1000x128xf32, #tpu.memory_space<vmem>>, %arg3: memref<2x1000x128xf32, #tpu.memory_space<vmem>>, %arg4: memref<2x1000x128xf32, #tpu.memory_space<vmem>>, %arg5: memref<1x256xf32, #tpu.memory_space<vmem>>, %arg6: memref<1x256xf32, #tpu.memory_space<vmem>>, %arg7: memref<1x256xf32, #tpu.memory_space<vmem>>, %arg8: memref<256x256xf32, #tpu.memory_space<vmem>>, %arg9: memref<1000x256xf32, #tpu.memory_space<vmem>>, %arg10: memref<2x1000x128xf32, #tpu.memory_space<vmem>>) attributes {dimension_semantics = [#tpu.dimension_semantics<arbitrary>], iteration_bounds = array<i64: 10>, scalar_prefetch = 0 : i64, scratch_operands = 0 : i64, tpu.core_type = #tpu.core_type<tc>, window_params = [{transform_indices = @transform_0, window_bounds = array<i64: 1000, 256>}, {transform_indices = @transform_1, window_bounds = array<i64: 2, 1000, 128>}, {transform_indices = @transform_2, window_bounds = array<i64: 2, 1000, 128>}, {transform_indices = @transform_3, window_bounds = array<i64: 2, 1000, 128>}, {pipeline_mode = #tpu.pipeline_mode<synchronous>, transform_indices = @transform_4, window_bounds = array<i64: 1, 256>}, {pipeline_mode = #tpu.pipeline_mode<synchronous>, transform_indices = @transform_5, window_bounds = array<i64: 1, 256>}, {pipeline_mode = #tpu.pipeline_mode<synchronous>, transform_indices = @transform_6, window_bounds = array<i64: 1, 256>}, {pipeline_mode = #tpu.pipeline_mode<synchronous>, transform_indices = @transform_7, window_bounds = array<i64: 256, 256>}, {transform_indices = @transform_8, window_bounds = array<i64: 1000, 256>}, {transform_indices = @transform_9, window_bounds = array<i64: 2, 1000, 128>}]} {
    %get3A = arith.constant 0 : index
    %get3A_0 = arith.constant 0 : index
    %get3A_1 = arith.constant 0 : index
    %get3A_2 = vector.load %arg4[%get3A, %get3A_0, %get3A_1] : memref<2x1000x128xf32, #tpu.memory_space<vmem>>, vector<1x1000x128xf32>
    %get3A_3 = vector.shape_cast %get3A_2 : vector<1x1000x128xf32> to vector<1000x128xf32>
    %slice3A = vector.extract_strided_slice %get3A_3 {offsets = [0, 0], sizes = [1000, 1], strides = [1, 1]} : vector<1000x128xf32> to vector<1000x1xf32>
    %get3A_4 = arith.constant 1 : index
    %get3A_5 = arith.constant 0 : index
    %get3A_6 = arith.constant 0 : index
    %get3A_7 = vector.load %arg4[%get3A_4, %get3A_5, %get3A_6] : memref<2x1000x128xf32, #tpu.memory_space<vmem>>, vector<1x1000x128xf32>
    %get3A_8 = vector.shape_cast %get3A_7 : vector<1x1000x128xf32> to vector<1000x128xf32>
    %slice3A_9 = vector.extract_strided_slice %get3A_8 {offsets = [0, 0], sizes = [1000, 1], strides = [1, 1]} : vector<1000x128xf32> to vector<1000x1xf32>
    %add3A = arith.addf %slice3A, %slice3A_9 : vector<1000x1xf32>
    %add3A_10 = arith.constant 1.000000e+00 : f32
    %add3A_11 = vector.broadcast %add3A_10 : f32 to vector<1000x1xf32>
    %add3A_12 = arith.addf %add3A, %add3A_11 : vector<1000x1xf32>
    %rsqrt3A = math.rsqrt %add3A_12 : vector<1000x1xf32>
    %get3A_13 = arith.constant 0 : index
    %get3A_14 = arith.constant 0 : index
    %get3A_15 = arith.constant 0 : index
    %get3A_16 = vector.load %arg2[%get3A_13, %get3A_14, %get3A_15] : memref<2x1000x128xf32, #tpu.memory_space<vmem>>, vector<1x1000x128xf32>
    %get3A_17 = vector.shape_cast %get3A_16 : vector<1x1000x128xf32> to vector<1000x128xf32>
    %get3A_18 = arith.constant 1 : index
    %get3A_19 = arith.constant 0 : index
    %get3A_20 = arith.constant 0 : index
    %get3A_21 = vector.load %arg2[%get3A_18, %get3A_19, %get3A_20] : memref<2x1000x128xf32, #tpu.memory_space<vmem>>, vector<1x1000x128xf32>
    %get3A_22 = vector.shape_cast %get3A_21 : vector<1x1000x128xf32> to vector<1000x128xf32>
    %concatenate3A = tpu.concatenate %get3A_17, %get3A_22 in 1 : vector<1000x128xf32>, vector<1000x128xf32> -> vector<1000x256xf32>
    %get3A_23 = arith.constant 0 : index
    %get3A_24 = arith.constant 0 : index
    %get3A_25 = arith.constant 0 : index
    %get3A_26 = vector.load %arg3[%get3A_23, %get3A_24, %get3A_25] : memref<2x1000x128xf32, #tpu.memory_space<vmem>>, vector<1x1000x128xf32>
    %get3A_27 = vector.shape_cast %get3A_26 : vector<1x1000x128xf32> to vector<1000x128xf32>
    %get3A_28 = arith.constant 1 : index
    %get3A_29 = arith.constant 0 : index
    %get3A_30 = arith.constant 0 : index
    %get3A_31 = vector.load %arg3[%get3A_28, %get3A_29, %get3A_30] : memref<2x1000x128xf32, #tpu.memory_space<vmem>>, vector<1x1000x128xf32>
    %get3A_32 = vector.shape_cast %get3A_31 : vector<1x1000x128xf32> to vector<1000x128xf32>
    %concatenate3A_33 = tpu.concatenate %get3A_27, %get3A_32 in 1 : vector<1000x128xf32>, vector<1000x128xf32> -> vector<1000x256xf32>
    %add3A_34 = arith.addf %concatenate3A_33, %concatenate3A : vector<1000x256xf32>
    %mul3A = vector.broadcast %rsqrt3A : vector<1000x1xf32> to vector<1000x256xf32>
    %mul3A_35 = arith.mulf %mul3A, %add3A_34 : vector<1000x256xf32>
    %get3A_36 = arith.constant 0 : index
    %get3A_37 = arith.constant 0 : index
    %get3A_38 = vector.load %arg5[%get3A_36, %get3A_37] : memref<1x256xf32, #tpu.memory_space<vmem>>, vector<1x256xf32>
    %add3A_39 = vector.broadcast %get3A_38 : vector<1x256xf32> to vector<1000x256xf32>
    %add3A_40 = arith.addf %mul3A_35, %add3A_39 : vector<1000x256xf32>
    %get3A_41 = arith.constant 0 : index
    %get3A_42 = arith.constant 0 : index
    %get3A_43 = vector.load %arg6[%get3A_41, %get3A_42] : memref<1x256xf32, #tpu.memory_space<vmem>>, vector<1x256xf32>
    %mul3A_44 = arith.constant 0.999994993 : f32
    %mul3A_45 = vector.broadcast %mul3A_44 : f32 to vector<1x256xf32>
    %mul3A_46 = arith.mulf %get3A_43, %mul3A_45 : vector<1x256xf32>
    %mul3A_47 = vector.broadcast %mul3A_46 : vector<1x256xf32> to vector<1000x256xf32>
    %mul3A_48 = arith.mulf %add3A_40, %mul3A_47 : vector<1000x256xf32>
    %get3A_49 = arith.constant 0 : index
    %get3A_50 = arith.constant 0 : index
    %get3A_51 = vector.load %arg7[%get3A_49, %get3A_50] : memref<1x256xf32, #tpu.memory_space<vmem>>, vector<1x256xf32>
    %add3A_52 = vector.broadcast %get3A_51 : vector<1x256xf32> to vector<1000x256xf32>
    %add3A_53 = arith.addf %mul3A_48, %add3A_52 : vector<1000x256xf32>
    %get3A_54 = arith.constant 0 : index
    %get3A_55 = arith.constant 0 : index
    %get3A_56 = vector.load %arg1[%get3A_54, %get3A_55] : memref<1000x256xf32, #tpu.memory_space<vmem>>, vector<1000x256xf32>
    %max3A = arith.constant 0.000000e+00 : f32
    %max3A_57 = vector.broadcast %max3A : f32 to vector<1000x256xf32>
    %max3A_58 = arith.maximumf %add3A_53, %max3A_57 : vector<1000x256xf32>
    %add3A_59 = arith.addf %get3A_56, %max3A_58 : vector<1000x256xf32>
    %swap3A = arith.constant 0 : index
    %swap3A_60 = arith.constant 0 : index
    %swap3A_61 = vector.load %arg9[%swap3A, %swap3A_60] : memref<1000x256xf32, #tpu.memory_space<vmem>>, vector<1000x256xf32>
    tpu.vector_store %arg9[%swap3A, %swap3A_60], %add3A_59 {strides = array<i32>} : memref<1000x256xf32, #tpu.memory_space<vmem>>, vector<1000x256xf32>,
    %get3A_62 = arith.constant 0 : index
    %get3A_63 = arith.constant 0 : index
    %get3A_64 = vector.load %arg8[%get3A_62, %get3A_63] : memref<256x256xf32, #tpu.memory_space<vmem>>, vector<256x256xf32>
    %dot_general3A = arith.constant dense<0.000000e+00> : vector<1000x256xf32>
    %dot_general3A_65 = tpu.matmul %add3A_59, %get3A_64, %dot_general3A {dimension_numbers = #tpu.dot_dimension_numbers<[1], [0], [0], [1], [0, 0, 1, 1], [], []>, transpose_lhs_hint = false} : vector<1000x256xf32>, vector<256x256xf32>, vector<1000x256xf32> -> vector<1000x256xf32>
    %mul3A_66 = vector.broadcast %rsqrt3A : vector<1000x1xf32> to vector<1000x256xf32>
    %mul3A_67 = arith.mulf %dot_general3A_65, %mul3A_66 : vector<1000x256xf32>
    %slice3A_68 = vector.extract_strided_slice %mul3A_67 {offsets = [0, 0], sizes = [1000, 128], strides = [1, 1]} : vector<1000x256xf32> to vector<1000x128xf32>
    %swap3A_69 = arith.constant 0 : index
    %swap3A_70 = arith.constant 0 : index
    %swap3A_71 = arith.constant 0 : index
    %swap3A_72 = vector.load %arg10[%swap3A_69, %swap3A_70, %swap3A_71] : memref<2x1000x128xf32, #tpu.memory_space<vmem>>, vector<1x1000x128xf32>
    %swap3A_73 = vector.shape_cast %swap3A_72 : vector<1x1000x128xf32> to vector<1000x128xf32>
    %swap3A_74 = vector.shape_cast %slice3A_68 : vector<1000x128xf32> to vector<1x1000x128xf32>
    tpu.vector_store %arg10[%swap3A_69, %swap3A_70, %swap3A_71], %swap3A_74 {strides = array<i32>} : memref<2x1000x128xf32, #tpu.memory_space<vmem>>, vector<1x1000x128xf32>,
    %slice3A_75 = vector.extract_strided_slice %mul3A_67 {offsets = [0, 128], sizes = [1000, 128], strides = [1, 1]} : vector<1000x256xf32> to vector<1000x128xf32>
    %swap3A_76 = arith.constant 1 : index
    %swap3A_77 = arith.constant 0 : index
    %swap3A_78 = arith.constant 0 : index
    %swap3A_79 = vector.load %arg10[%swap3A_76, %swap3A_77, %swap3A_78] : memref<2x1000x128xf32, #tpu.memory_space<vmem>>, vector<1x1000x128xf32>
    %swap3A_80 = vector.shape_cast %swap3A_79 : vector<1x1000x128xf32> to vector<1000x128xf32>
    %swap3A_81 = vector.shape_cast %slice3A_75 : vector<1000x128xf32> to vector<1x1000x128xf32>
    tpu.vector_store %arg10[%swap3A_76, %swap3A_77, %swap3A_78], %swap3A_81 {strides = array<i32>} : memref<2x1000x128xf32, #tpu.memory_space<vmem>>, vector<1x1000x128xf32>,
    return
  }
  func.func @transform_0(%arg0: i32) -> (i32, i32) {
    %c0_i32 = arith.constant 0 : i32
    %c0_i32_0 = arith.constant 0 : i32
    return %arg0, %c0_i32 : i32, i32
  }
  func.func @transform_1(%arg0: i32) -> (i32, i32, i32) {
    %c0_i32 = arith.constant 0 : i32
    %c0_i32_0 = arith.constant 0 : i32
    %c0_i32_1 = arith.constant 0 : i32
    return %c0_i32, %arg0, %c0_i32_0 : i32, i32, i32
  }
  func.func @transform_2(%arg0: i32) -> (i32, i32, i32) {
    %c0_i32 = arith.constant 0 : i32
    %c0_i32_0 = arith.constant 0 : i32
    %c0_i32_1 = arith.constant 0 : i32
    return %c0_i32, %arg0, %c0_i32_0 : i32, i32, i32
  }
  func.func @transform_3(%arg0: i32) -> (i32, i32, i32) {
    %c0_i32 = arith.constant 0 : i32
    %c0_i32_0 = arith.constant 0 : i32
    %c0_i32_1 = arith.constant 0 : i32
    return %c0_i32, %arg0, %c0_i32_0 : i32, i32, i32
  }
  func.func @transform_4(%arg0: i32) -> (i32, i32) {
    %c0_i32 = arith.constant 0 : i32
    %c0_i32_0 = arith.constant 0 : i32
    %c0_i32_1 = arith.constant 0 : i32
    return %c0_i32, %c0_i32_0 : i32, i32
  }
  func.func @transform_5(%arg0: i32) -> (i32, i32) {
    %c0_i32 = arith.constant 0 : i32
    %c0_i32_0 = arith.constant 0 : i32
    %c0_i32_1 = arith.constant 0 : i32
    return %c0_i32, %c0_i32_0 : i32, i32
  }
  func.func @transform_6(%arg0: i32) -> (i32, i32) {
    %c0_i32 = arith.constant 0 : i32
    %c0_i32_0 = arith.constant 0 : i32
    %c0_i32_1 = arith.constant 0 : i32
    return %c0_i32, %c0_i32_0 : i32, i32
  }
  func.func @transform_7(%arg0: i32) -> (i32, i32) {
    %c0_i32 = arith.constant 0 : i32
    %c0_i32_0 = arith.constant 0 : i32
    %c0_i32_1 = arith.constant 0 : i32
    return %c0_i32, %c0_i32_0 : i32, i32
  }
  func.func @transform_8(%arg0: i32) -> (i32, i32) {
    %c0_i32 = arith.constant 0 : i32
    %c0_i32_0 = arith.constant 0 : i32
    return %arg0, %c0_i32 : i32, i32
  }
  func.func @transform_9(%arg0: i32) -> (i32, i32, i32) {
    %c0_i32 = arith.constant 0 : i32
    %c0_i32_0 = arith.constant 0 : i32
    %c0_i32_1 = arith.constant 0 : i32
    return %c0_i32, %arg0, %c0_i32_0 : i32, i32, i32
  }
}

module attributes {stable_mosaic.version = 14 : i64} {
  func.func @_tc_last_body(%arg0: i32, %arg1: memref<1000x256xf32, #tpu.memory_space<vmem>>, %arg2: memref<2x1000x128xf32, #tpu.memory_space<vmem>>, %arg3: memref<2x1000x128xf32, #tpu.memory_space<vmem>>, %arg4: memref<2x1000x128xf32, #tpu.memory_space<vmem>>, %arg5: memref<1x256xf32, #tpu.memory_space<vmem>>, %arg6: memref<1x256xf32, #tpu.memory_space<vmem>>, %arg7: memref<1x256xf32, #tpu.memory_space<vmem>>, %arg8: memref<256x128xf32, #tpu.memory_space<vmem>>, %arg9: memref<1x128xf32, #tpu.memory_space<vmem>>, %arg10: memref<128x2xf32, #tpu.memory_space<vmem>>, %arg11: memref<1x2xf32, #tpu.memory_space<vmem>>, %arg12: memref<1000x2xf32, #tpu.memory_space<vmem>>) attributes {dimension_semantics = [#tpu.dimension_semantics<arbitrary>], iteration_bounds = array<i64: 10>, scalar_prefetch = 0 : i64, scratch_operands = 0 : i64, tpu.core_type = #tpu.core_type<tc>, window_params = [{transform_indices = @transform_0, window_bounds = array<i64: 1000, 256>}, {transform_indices = @transform_1, window_bounds = array<i64: 2, 1000, 128>}, {transform_indices = @transform_2, window_bounds = array<i64: 2, 1000, 128>}, {transform_indices = @transform_3, window_bounds = array<i64: 2, 1000, 128>}, {pipeline_mode = #tpu.pipeline_mode<synchronous>, transform_indices = @transform_4, window_bounds = array<i64: 1, 256>}, {pipeline_mode = #tpu.pipeline_mode<synchronous>, transform_indices = @transform_5, window_bounds = array<i64: 1, 256>}, {pipeline_mode = #tpu.pipeline_mode<synchronous>, transform_indices = @transform_6, window_bounds = array<i64: 1, 256>}, {pipeline_mode = #tpu.pipeline_mode<synchronous>, transform_indices = @transform_7, window_bounds = array<i64: 256, 128>}, {pipeline_mode = #tpu.pipeline_mode<synchronous>, transform_indices = @transform_8, window_bounds = array<i64: 1, 128>}, {pipeline_mode = #tpu.pipeline_mode<synchronous>, transform_indices = @transform_9, window_bounds = array<i64: 128, 2>}, {pipeline_mode = #tpu.pipeline_mode<synchronous>, transform_indices = @transform_10, window_bounds = array<i64: 1, 2>}, {transform_indices = @transform_11, window_bounds = array<i64: 1000, 2>}]} {
    %get3A = arith.constant 0 : index
    %get3A_0 = arith.constant 0 : index
    %get3A_1 = arith.constant 0 : index
    %get3A_2 = vector.load %arg4[%get3A, %get3A_0, %get3A_1] : memref<2x1000x128xf32, #tpu.memory_space<vmem>>, vector<1x1000x128xf32>
    %get3A_3 = vector.shape_cast %get3A_2 : vector<1x1000x128xf32> to vector<1000x128xf32>
    %slice3A = vector.extract_strided_slice %get3A_3 {offsets = [0, 0], sizes = [1000, 1], strides = [1, 1]} : vector<1000x128xf32> to vector<1000x1xf32>
    %get3A_4 = arith.constant 1 : index
    %get3A_5 = arith.constant 0 : index
    %get3A_6 = arith.constant 0 : index
    %get3A_7 = vector.load %arg4[%get3A_4, %get3A_5, %get3A_6] : memref<2x1000x128xf32, #tpu.memory_space<vmem>>, vector<1x1000x128xf32>
    %get3A_8 = vector.shape_cast %get3A_7 : vector<1x1000x128xf32> to vector<1000x128xf32>
    %slice3A_9 = vector.extract_strided_slice %get3A_8 {offsets = [0, 0], sizes = [1000, 1], strides = [1, 1]} : vector<1000x128xf32> to vector<1000x1xf32>
    %add3A = arith.addf %slice3A, %slice3A_9 : vector<1000x1xf32>
    %add3A_10 = arith.constant 1.000000e+00 : f32
    %add3A_11 = vector.broadcast %add3A_10 : f32 to vector<1000x1xf32>
    %add3A_12 = arith.addf %add3A, %add3A_11 : vector<1000x1xf32>
    %rsqrt3A = math.rsqrt %add3A_12 : vector<1000x1xf32>
    %get3A_13 = arith.constant 0 : index
    %get3A_14 = arith.constant 0 : index
    %get3A_15 = arith.constant 0 : index
    %get3A_16 = vector.load %arg2[%get3A_13, %get3A_14, %get3A_15] : memref<2x1000x128xf32, #tpu.memory_space<vmem>>, vector<1x1000x128xf32>
    %get3A_17 = vector.shape_cast %get3A_16 : vector<1x1000x128xf32> to vector<1000x128xf32>
    %get3A_18 = arith.constant 1 : index
    %get3A_19 = arith.constant 0 : index
    %get3A_20 = arith.constant 0 : index
    %get3A_21 = vector.load %arg2[%get3A_18, %get3A_19, %get3A_20] : memref<2x1000x128xf32, #tpu.memory_space<vmem>>, vector<1x1000x128xf32>
    %get3A_22 = vector.shape_cast %get3A_21 : vector<1x1000x128xf32> to vector<1000x128xf32>
    %concatenate3A = tpu.concatenate %get3A_17, %get3A_22 in 1 : vector<1000x128xf32>, vector<1000x128xf32> -> vector<1000x256xf32>
    %get3A_23 = arith.constant 0 : index
    %get3A_24 = arith.constant 0 : index
    %get3A_25 = arith.constant 0 : index
    %get3A_26 = vector.load %arg3[%get3A_23, %get3A_24, %get3A_25] : memref<2x1000x128xf32, #tpu.memory_space<vmem>>, vector<1x1000x128xf32>
    %get3A_27 = vector.shape_cast %get3A_26 : vector<1x1000x128xf32> to vector<1000x128xf32>
    %get3A_28 = arith.constant 1 : index
    %get3A_29 = arith.constant 0 : index
    %get3A_30 = arith.constant 0 : index
    %get3A_31 = vector.load %arg3[%get3A_28, %get3A_29, %get3A_30] : memref<2x1000x128xf32, #tpu.memory_space<vmem>>, vector<1x1000x128xf32>
    %get3A_32 = vector.shape_cast %get3A_31 : vector<1x1000x128xf32> to vector<1000x128xf32>
    %concatenate3A_33 = tpu.concatenate %get3A_27, %get3A_32 in 1 : vector<1000x128xf32>, vector<1000x128xf32> -> vector<1000x256xf32>
    %add3A_34 = arith.addf %concatenate3A_33, %concatenate3A : vector<1000x256xf32>
    %mul3A = vector.broadcast %rsqrt3A : vector<1000x1xf32> to vector<1000x256xf32>
    %mul3A_35 = arith.mulf %mul3A, %add3A_34 : vector<1000x256xf32>
    %get3A_36 = arith.constant 0 : index
    %get3A_37 = arith.constant 0 : index
    %get3A_38 = vector.load %arg5[%get3A_36, %get3A_37] : memref<1x256xf32, #tpu.memory_space<vmem>>, vector<1x256xf32>
    %add3A_39 = vector.broadcast %get3A_38 : vector<1x256xf32> to vector<1000x256xf32>
    %add3A_40 = arith.addf %mul3A_35, %add3A_39 : vector<1000x256xf32>
    %get3A_41 = arith.constant 0 : index
    %get3A_42 = arith.constant 0 : index
    %get3A_43 = vector.load %arg6[%get3A_41, %get3A_42] : memref<1x256xf32, #tpu.memory_space<vmem>>, vector<1x256xf32>
    %mul3A_44 = arith.constant 0.999994993 : f32
    %mul3A_45 = vector.broadcast %mul3A_44 : f32 to vector<1x256xf32>
    %mul3A_46 = arith.mulf %get3A_43, %mul3A_45 : vector<1x256xf32>
    %mul3A_47 = vector.broadcast %mul3A_46 : vector<1x256xf32> to vector<1000x256xf32>
    %mul3A_48 = arith.mulf %add3A_40, %mul3A_47 : vector<1000x256xf32>
    %get3A_49 = arith.constant 0 : index
    %get3A_50 = arith.constant 0 : index
    %get3A_51 = vector.load %arg7[%get3A_49, %get3A_50] : memref<1x256xf32, #tpu.memory_space<vmem>>, vector<1x256xf32>
    %add3A_52 = vector.broadcast %get3A_51 : vector<1x256xf32> to vector<1000x256xf32>
    %add3A_53 = arith.addf %mul3A_48, %add3A_52 : vector<1000x256xf32>
    %get3A_54 = arith.constant 0 : index
    %get3A_55 = arith.constant 0 : index
    %get3A_56 = vector.load %arg1[%get3A_54, %get3A_55] : memref<1000x256xf32, #tpu.memory_space<vmem>>, vector<1000x256xf32>
    %max3A = arith.constant 0.000000e+00 : f32
    %max3A_57 = vector.broadcast %max3A : f32 to vector<1000x256xf32>
    %max3A_58 = arith.maximumf %add3A_53, %max3A_57 : vector<1000x256xf32>
    %add3A_59 = arith.addf %get3A_56, %max3A_58 : vector<1000x256xf32>
    %get3A_60 = arith.constant 0 : index
    %get3A_61 = arith.constant 0 : index
    %get3A_62 = vector.load %arg8[%get3A_60, %get3A_61] : memref<256x128xf32, #tpu.memory_space<vmem>>, vector<256x128xf32>
    %dot_general3A = arith.constant dense<0.000000e+00> : vector<1000x128xf32>
    %dot_general3A_63 = tpu.matmul %add3A_59, %get3A_62, %dot_general3A {dimension_numbers = #tpu.dot_dimension_numbers<[1], [0], [0], [1], [0, 0, 1, 1], [], []>, transpose_lhs_hint = false} : vector<1000x256xf32>, vector<256x128xf32>, vector<1000x128xf32> -> vector<1000x128xf32>
    %get3A_64 = arith.constant 0 : index
    %get3A_65 = arith.constant 0 : index
    %get3A_66 = vector.load %arg9[%get3A_64, %get3A_65] : memref<1x128xf32, #tpu.memory_space<vmem>>, vector<1x128xf32>
    %add3A_67 = vector.broadcast %get3A_66 : vector<1x128xf32> to vector<1000x128xf32>
    %add3A_68 = arith.addf %dot_general3A_63, %add3A_67 : vector<1000x128xf32>
    %max3A_69 = arith.constant 0.000000e+00 : f32
    %max3A_70 = vector.broadcast %max3A_69 : f32 to vector<1000x128xf32>
    %max3A_71 = arith.maximumf %add3A_68, %max3A_70 : vector<1000x128xf32>
    %get3A_72 = arith.constant 0 : index
    %get3A_73 = arith.constant 0 : index
    %get3A_74 = vector.load %arg10[%get3A_72, %get3A_73] : memref<128x2xf32, #tpu.memory_space<vmem>>, vector<128x2xf32>
    %dot_general3A_75 = arith.constant dense<0.000000e+00> : vector<1000x2xf32>
    %dot_general3A_76 = tpu.matmul %max3A_71, %get3A_74, %dot_general3A_75 {dimension_numbers = #tpu.dot_dimension_numbers<[1], [0], [0], [1], [0, 0, 1, 1], [], []>, transpose_lhs_hint = false} : vector<1000x128xf32>, vector<128x2xf32>, vector<1000x2xf32> -> vector<1000x2xf32>
    %get3A_77 = arith.constant 0 : index
    %get3A_78 = arith.constant 0 : index
    %get3A_79 = vector.load %arg11[%get3A_77, %get3A_78] : memref<1x2xf32, #tpu.memory_space<vmem>>, vector<1x2xf32>
    %add3A_80 = vector.broadcast %get3A_79 : vector<1x2xf32> to vector<1000x2xf32>
    %add3A_81 = arith.addf %dot_general3A_76, %add3A_80 : vector<1000x2xf32>
    %swap3A = arith.constant 0 : index
    %swap3A_82 = arith.constant 0 : index
    %swap3A_83 = vector.load %arg12[%swap3A, %swap3A_82] : memref<1000x2xf32, #tpu.memory_space<vmem>>, vector<1000x2xf32>
    tpu.vector_store %arg12[%swap3A, %swap3A_82], %add3A_81 {strides = array<i32>} : memref<1000x2xf32, #tpu.memory_space<vmem>>, vector<1000x2xf32>,
    return
  }
  func.func @transform_0(%arg0: i32) -> (i32, i32) {
    %c0_i32 = arith.constant 0 : i32
    %c0_i32_0 = arith.constant 0 : i32
    return %arg0, %c0_i32 : i32, i32
  }
  func.func @transform_1(%arg0: i32) -> (i32, i32, i32) {
    %c0_i32 = arith.constant 0 : i32
    %c0_i32_0 = arith.constant 0 : i32
    %c0_i32_1 = arith.constant 0 : i32
    return %c0_i32, %arg0, %c0_i32_0 : i32, i32, i32
  }
  func.func @transform_2(%arg0: i32) -> (i32, i32, i32) {
    %c0_i32 = arith.constant 0 : i32
    %c0_i32_0 = arith.constant 0 : i32
    %c0_i32_1 = arith.constant 0 : i32
    return %c0_i32, %arg0, %c0_i32_0 : i32, i32, i32
  }
  func.func @transform_3(%arg0: i32) -> (i32, i32, i32) {
    %c0_i32 = arith.constant 0 : i32
    %c0_i32_0 = arith.constant 0 : i32
    %c0_i32_1 = arith.constant 0 : i32
    return %c0_i32, %arg0, %c0_i32_0 : i32, i32, i32
  }
  func.func @transform_4(%arg0: i32) -> (i32, i32) {
    %c0_i32 = arith.constant 0 : i32
    %c0_i32_0 = arith.constant 0 : i32
    %c0_i32_1 = arith.constant 0 : i32
    return %c0_i32, %c0_i32_0 : i32, i32
  }
  func.func @transform_5(%arg0: i32) -> (i32, i32) {
    %c0_i32 = arith.constant 0 : i32
    %c0_i32_0 = arith.constant 0 : i32
    %c0_i32_1 = arith.constant 0 : i32
    return %c0_i32, %c0_i32_0 : i32, i32
  }
  func.func @transform_6(%arg0: i32) -> (i32, i32) {
    %c0_i32 = arith.constant 0 : i32
    %c0_i32_0 = arith.constant 0 : i32
    %c0_i32_1 = arith.constant 0 : i32
    return %c0_i32, %c0_i32_0 : i32, i32
  }
  func.func @transform_7(%arg0: i32) -> (i32, i32) {
    %c0_i32 = arith.constant 0 : i32
    %c0_i32_0 = arith.constant 0 : i32
    %c0_i32_1 = arith.constant 0 : i32
    return %c0_i32, %c0_i32_0 : i32, i32
  }
  func.func @transform_8(%arg0: i32) -> (i32, i32) {
    %c0_i32 = arith.constant 0 : i32
    %c0_i32_0 = arith.constant 0 : i32
    %c0_i32_1 = arith.constant 0 : i32
    return %c0_i32, %c0_i32_0 : i32, i32
  }
  func.func @transform_9(%arg0: i32) -> (i32, i32) {
    %c0_i32 = arith.constant 0 : i32
    %c0_i32_0 = arith.constant 0 : i32
    %c0_i32_1 = arith.constant 0 : i32
    return %c0_i32, %c0_i32_0 : i32, i32
  }
  func.func @transform_10(%arg0: i32) -> (i32, i32) {
    %c0_i32 = arith.constant 0 : i32
    %c0_i32_0 = arith.constant 0 : i32
    %c0_i32_1 = arith.constant 0 : i32
    return %c0_i32, %c0_i32_0 : i32, i32
  }
  func.func @transform_11(%arg0: i32) -> (i32, i32) {
    %c0_i32 = arith.constant 0 : i32
    %c0_i32_0 = arith.constant 0 : i32
    return %arg0, %c0_i32 : i32, i32
  }
}

</mosaic_0001>

<sc_bundles>
// kernel: kernel.11.cloned.1.call-start
scs
__scs_entry_jumppad:
0x0: {  	(pc) =	sbr.rel $0x88, $3  }
0x1: {  	(tag) =	ssettag $0x0;
	lr =	simm.s32 $0x1  }
0x2: {  	[smem:$0x3F8D] =	sst lr;
	_ =	strace $0xD0000000  }
0x3: {  	_ = 	snop  }
0x4: {  	_ = 	snop  }
0x5: {  	_ = 	snop  }
0x6: {  	_ = 	snop  }
0x7: {  	_ = 	snop  }
__scs_overlays_trampoline_lowered:
0x8: {  	[smem:$0x3F9C] =	sst s0  }
0x9: {  	[smem:$0x3F9D] =	sst s1  }
0xa: {  	[smem:$0x3F9E] =	sst s2  }
0xb: {  	[smem:$0x3F9F] =	sst s3  }
0xc: {  	[smem:$0x3FA0] =	sst s4  }
0xd: {  	[smem:$0x3FA1] =	sst s5  }
0xe: {  	[smem:$0x3FA2] =	sst s6  }
0xf: {  	[smem:$0x3FA3] =	sst s7  }
0x10: {  	[smem:$0x3FA4] =	sst s8  }
0x11: {  	[smem:$0x3FA5] =	sst s9;
	s0 =	simm.s32 @!p0 $0x0  }
0x12: {  	s1 =	sld [smem:$0x3F8B];
	s0 =	simm.s32 @p0 $0x1  }
0x13: {  	[smem:$0x3FA6] =	sst s0;
	s0 =	simm.s32 @!p1 $0x0  }
0x14: {  	s2 =	sld [smem:$0x3F8A];
	s0 =	simm.s32 @p1 $0x1  }
0x15: {  	[smem:$0x3FA7] =	sst s0;
	s0 =	simm.s32 @!p2 $0x0  }
0x16: {  	s3 =	sld [smem:$0x3FDB];
	s0 =	simm.s32 @p2 $0x1  }
0x17: {  	s4 =	simm.s32 $0x1BF5;
	[smem:$0x3FA9] =	sst s0  }
0x18: {  	s0 =	sld [smem:$0x3F8C];
	_ =	swait.ge [sflag:s4], $0x0  }
0x19: {  	s7 =	sld [smem:$0x3F8D]  }
0x1a: {  	s8 =	sadd.s32 $0xFFFFE003, lr  }
0x1b: {  	s9 =	sadd.s32 $0xFFFFFEF7, lr;
	s5 =	simm.s32 $0xFFFFFFFF;
	p2 =	slt.u32 s8, $0xFFFFF086  }
0x1c: {  	p1 =	slt.u32 s9, $0xF7A;
	s5 =	simm.s32 @!p2 $0x0  }
0x1d: {  	s5 =	simm.s32 @p1 $0x1;
	p0 =	seq.s32 s7, s2  }
0x1e: {  	s7 =	smul.u32 @!p0 $0xF7A, s2;
	p2 =	seq.s32 @!p0 s5, $0x0  }
0x1f: {  	s9 =	smul.u32 $0xF7A, s1;
	s8 =	simm.s32 @!p0 $0x1BF5;
	p2 =	por !p2, p0  }
0x20: {  	[sflag:s8] =	ssyncset.s32 @!p0 $0xFFFFF086;
	s6 =	sadd.s32 @!p0 s3, s7;
	s7 =	simm.s32 @!p0 $0x108  }
0x21: {  	s3 =	sadd.s32 s3, s9;
	s6 =	sadd.s32 @!p0 $0x88, s6;
	s7 =	simm.s32 @p2 $0x1082  }
0x22: {  	[simem:s7], [sflag:s8] =	dma.local @!p0 [hbm:s6], $0xF7A  }
0x23: {  	s9 =	sor.u32 $0xD0000000, s2;
	s6 =	simm.s32 $0x108;
	_ =	swait.ge @!p0 [sflag:s8], $0x0  }
0x24: {  	s3 =	sadd.s32 $0x88, s3;
	s6 =	simm.s32 @!p1 $0x1082;
	[sflag:s4] =	ssyncset.s32 $0xFFFFF086  }
0x25: {  	[simem:s6], [sflag:s4] =	dma.local [hbm:s3], $0xF7A  }
0x26: {  	[smem:$0x3F8D] =	sst s1;
	(tag) =	ssettag s2;
	_ =	strace s9  }
0x27: {  	s1 =	sld [smem:$0x3F9D]  }
0x28: {  	s2 =	sld [smem:$0x3F9E]  }
0x29: {  	s4 =	sld [smem:$0x3FA0]  }
0x2a: {  	p0 =	seq.s32 s5, $0x0;
	s5 =	sld [smem:$0x3FA1]  }
0x2b: {  	s6 =	sld [smem:$0x3FA2]  }
0x2c: {  	s7 =	sld [smem:$0x3FA3]  }
0x2d: {  	s3 =	simm.s32 $0x108;
	s8 =	sld [smem:$0x3FA4]  }
0x2e: {  	s3 =	simm.s32 @!p0 $0x1082;
	s9 =	sld [smem:$0x3FA5]  }
0x2f: {  	lr =	sadd.s32 s0, s3;
	s0 =	sld [smem:$0x3F9C]  }
0x30: {  	s3 =	sld [smem:$0x3F9F]  }
0x31: {  	[smem:$0x3FA8] =	sst s10  }
0x32: {  	s10 =	sld [smem:$0x3FA6];
	_ =	sdelay $0x3  }
0x33: {  	p0 =	seq.s32 s10, $0x1;
	s10 =	sld [smem:$0x3FA8];
	_ =	sdelay $0x3  }
0x34: {  	[smem:$0x3FA8] =	sst s10  }
0x35: {  	s10 =	sld [smem:$0x3FA7];
	_ =	sdelay $0x3  }
0x36: {  	p1 =	seq.s32 s10, $0x1;
	s10 =	sld [smem:$0x3FA8];
	_ =	sdelay $0x3  }
0x37: {  	[smem:$0x3FA8] =	sst s10  }
0x38: {  	s10 =	sld [smem:$0x3FA9]  }
0x39: {  	_ = 	snop;
	(pc) =	sbr.ind lr, $3  }
0x3a: {  	_ = 	snop  }
0x3b: {  	_ = 	snop  }
0x3c: {  	p2 =	seq.s32 s10, $0x1;
	s10 =	sld [smem:$0x3FA8]  }
0x3d: {  	_ =	shalt  }
0x3e: {  	_ =	shalt  }
0x3f: {  	_ =	shalt  }
0x40: {  	_ =	shalt  }
0x41: {  	_ =	shalt  }
0x42: {  	_ =	shalt  }
0x43: {  	_ =	shalt  }
0x44: {  	_ =	shalt  }
0x45: {  	_ =	shalt  }
0x46: {  	_ =	shalt  }
0x47: {  	_ =	shalt  }
0x48: {  	_ =	shalt  }
0x49: {  	_ =	shalt  }
0x4a: {  	_ =	shalt  }
0x4b: {  	_ =	shalt  }
0x4c: {  	_ =	shalt  }
0x4d: {  	_ =	shalt  }
0x4e: {  	_ =	shalt  }
0x4f: {  	_ =	shalt  }
0x50: {  	_ =	shalt  }
0x51: {  	_ =	shalt  }
0x52: {  	_ =	shalt  }
0x53: {  	_ =	shalt  }
0x54: {  	_ =	shalt  }
0x55: {  	_ =	shalt  }
0x56: {  	_ =	shalt  }
0x57: {  	_ =	shalt  }
0x58: {  	_ =	shalt  }
0x59: {  	_ =	shalt  }
0x5a: {  	_ =	shalt  }
0x5b: {  	_ =	shalt  }
0x5c: {  	_ =	shalt  }
0x5d: {  	_ =	shalt  }
0x5e: {  	_ =	shalt  }
0x5f: {  	_ =	shalt  }
0x60: {  	_ =	shalt  }
0x61: {  	_ =	shalt  }
0x62: {  	_ =	shalt  }
0x63: {  	_ =	shalt  }
0x64: {  	_ =	shalt  }
0x65: {  	_ =	shalt  }
0x66: {  	_ =	shalt  }
0x67: {  	_ =	shalt  }
0x68: {  	_ =	shalt  }
0x69: {  	_ =	shalt  }
0x6a: {  	_ =	shalt  }
0x6b: {  	_ =	shalt  }
0x6c: {  	_ =	shalt  }
0x6d: {  	_ =	shalt  }
0x6e: {  	_ =	shalt  }
0x6f: {  	_ =	shalt  }
0x70: {  	_ =	shalt  }
0x71: {  	_ =	shalt  }
0x72: {  	_ =	shalt  }
0x73: {  	_ =	shalt  }
0x74: {  	_ =	shalt  }
0x75: {  	_ =	shalt  }
0x76: {  	_ =	shalt  }
0x77: {  	_ =	shalt  }
0x78: {  	_ =	shalt  }
0x79: {  	_ =	shalt  }
0x7a: {  	_ =	shalt  }
0x7b: {  	_ =	shalt  }
0x7c: {  	_ =	shalt  }
0x7d: {  	_ =	shalt  }
0x7e: {  	_ =	shalt  }
0x7f: {  	_ =	shalt  }
0x80: {  	_ =	shalt  }
0x81: {  	_ =	shalt  }
0x82: {  	_ =	shalt  }
0x83: {  	_ =	shalt  }
0x84: {  	_ =	shalt  }
0x85: {  	_ =	shalt  }
0x86: {  	_ =	shalt  }
0x87: {  	_ =	shalt  }
.Lfunc_end0:
.L_simem_size_0:
called_computation_lowered:
.L_overlay_start_0:
0x88: {  	s2 =	sld [smem:$0x3FD9]  }
0x89: {  	s3 =	sld [smem:$0x3FFE];
	_ =	sdelay $0x1  }
0x8a: {  	s1 =	srdreg.scid  }
0x8b: {  	s0 =	sand.u32 $0x1, s1  }
0x8c: {  	s17 =	sshll.u32 s0, $0xA;
	s2 =	sadd.s32 s3, s2  }
0x8d: {  	s2 =	sadd.s32 s2, s17  }
0x8e: {  	[smem:$0x3FB4] =	sst s2  }
0x8f: {  	_ = 	snop  }
0x90: {  	s2 =	sld [smem:$0x3FD0];
	(tm) =	ssettm $0x1  }
0x91: {  	s18 =	sld [smem:$0x3FFB];
	_ =	sdelay $0x3  }
0x92: {  	_ =	strace s18  }
0x93: {  	s3 =	sld [smem:$0x3FFC];
	_ =	sdelay $0x3  }
0x94: {  	_ =	strace s3  }
0x95: {  	s3 =	sld [smem:$0x3FFD];
	_ =	sdelay $0x3  }
0x96: {  	_ =	strace s3  }
0x97: {  	_ =	strace $0x8FFFFFFF  }
0x98: {  	s19 =	sld [smem:$0x3FDB];
	_ =	sdelay $0x1  }
0x99: {  	s4 =	simm.s32 $_scs_section_size  }
0x9a: {  	s5 =	simm.s32 $_size__tile_overlayer_lowered;
	s6 =	simm.s32 $_tile_overlayer_lowered  }
0x9b: {  	s22 =	simm.s32 $0x1BFF;
	s21 =	sshll.u32 s6, $0x1;
	s3 =	sadd.s32 s4, s19  }
0x9c: {  	s7 =	simm.s32 $0x0;
	s20 =	sshll.u32 s5, $0x1;
	s5 =	sadd.s32 s21, s3  }
0x9d: {  	[timem:s7], [sflag:s22] =	dma.local [hbm:s5], s20  }
0x9e: {  	_ =	swait.ge [sflag:s22], s20  }
0x9f: {  	s4 =	ssub.s32 $0x0, s20;
	[sflag:s22] =	ssyncset.done $0x0  }
0xa0: {  	[sflag:s22] =	ssyncadd.s32 s4;
	_ =	sdelay $0x1  }
0xa1: {  	s23 =	simm.s32 $0x1B8B  }
0xa2: {  	_ =	swait.ge [sflag:s23], $0x1  }
0xa3: {  	[sflag:s23] =	ssyncset.done $0x0  }
0xa4: {  	s25 =	simm.s32 $0x1B8E;
	s24 =	sld [smem:$0x3FFE];
	[sflag:s23] =	ssyncadd.s32 $0xFFFFFFFF  }
0xa5: {  	s26 =	simm.s32 $execute0_lowered;
	[smem:$0x3FD2] =	sst s25  }
0xa6: {  	s5 =	sshll.u32 s26, $0x1;
	_ =	strace $0x80000046;
	[dreg:$0x1] =	wrdreg $0xFFFFFFFF  }
0xa7: {  	s28 =	simm.s32 $_size_execute0_lowered;
	s3 =	sadd.s32 s3, s5;
	[dreg:$0x0] =	wrdreg $0x0  }
0xa8: {  	s5 =	sshll.u32 s28, $0x1;
	[dreg:$0x2] =	wrdreg s3  }
0xa9: {  	[dreg:$0x3] =	wrdreg s5  }
0xaa: {  	[dreg:$0x4] =	wrdreg $0xC0  }
0xab: {  	_ =	task [dreg:s7], $0x5FFFF  }
0xac: {  	[dreg:$0x1] =	wrdreg $0xFFFFFFFF  }
0xad: {  	[dreg:$0x0] =	wrdreg $0x60  }
0xae: {  	[dreg:$0x2] =	wrdreg s24  }
0xaf: {  	[dreg:$0x3] =	wrdreg s2  }
0xb0: {  	[dreg:$0x4] =	wrdreg $0x0  }
0xb1: {  	[dreg:$0x5] =	wrdreg $0x9  }
0xb2: {  	_ =	task.clear_ibuf [dreg:s7], $0x6FFFF;
	_ =	strace $0x90000046  }
0xb3: {  	s29 =	simm.s32 $0x9;
	_ =	strace $0x80000048  }
0xb4: {  	_ =	swait.ge [sflag:s29], $0x1  }
0xb5: {  	[sflag:s29] =	ssyncadd.s32 $0xFFFFFFFF  }
0xb6: {  	_ =	strace $0x90000048  }
0xb7: {  	_ =	sfence  }
0xb8: {  	s30 =	sld [smem:$0x0];
	_ =	sdelay $0x2  }
0xb9: {  	s31 =	sshll.u32 s1, $0xD;
	s1 =	sshrl.u32 s1, $0x2  }
0xba: {  	s3 =	sand.u32 $0x4000, s31;
	s1 =	sadd.s32 s1, s30  }
0xbb: {  	s0 =	sor.u32 s3, s0;
	s1 =	sshll.u32 s1, $0x11  }
0xbc: {  	s0 =	sor.u32 s1, s0  }
0xbd: {  	s0 =	sadd.s32 $0x8F2B, s0  }
0xbe: {  	[sflag:s0] =	ssyncadd.remote.s32 $0x1  }
0xbf: {  	_ =	sfence.sel $0xFFFF  }
0xc0: {  	[dreg:$0x0] =	wrdreg $0xFFFFFFFF;
	(pc) =	sbr.abs _section_cstart, $3  }
0xc1: {  	[dreg:$0x1] =	wrdreg $0xFFFFFFFF  }
0xc2: {  	_ =	task.clear_ibuf [dreg:s7], $0x2FFFF;
	_ =	strace $0x9FFFFFFF  }
0xc3: {  	(tm) =	ssettm $0x7FFFFFFF  }
tec
execute0_lowered:
.L_overlay_start_1:
0x0: {  	(tag) =	ssettag $0x1  }
0x1: {  	s6 =	rddreg [dreg:$0x0]  }
0x2: {  	s2 =	rddreg [dreg:$0x1]  }
0x3: {  	s0 =	srdreg.scid;
	s3 =	rddreg [dreg:$0x2]  }
0x4: {  	s4 =	simm.s32 $0x0;
	s12 =	simm.s32 $0x13C00;
	s13 =	simm.s32 $0x16400  }
0x5: {  	s14 =	simm.s32 $0x80;
	s15 =	simm.s32 $0x13C80;
	s16 =	simm.s32 $0x1  }
0x6: {  	s17 =	simm.s32 $0x2;
	s5 =	sand.u32 $0x1, s0;
	s0 =	stileid.u32  }
0x7: {  	s18 =	simm.s32 $0x0;
	[smem:$0x7FF] =	sst s4;
	s8 =	smul.u32 $0x2780, s0  }
0x8: {  	s1 =	sshll.u32 s5, $0x4;
	s9 =	smul.u32 $0x27800, s5;
	s5 =	ssub.s32 $0x2, s5  }
0x9: {  	s10 =	smul.u32 $0x4F000, s0;
	s31 =	sshll.u32 s0, $0x6;
	s1 =	sor.u32 s0, s1  }
0xa: {  	s29 =	sshrl.u32 s5, $0x1;
	s7 =	smul.u32 $0x500, s1;
	s1 =	rddreg [dreg:$0x3]  }
0xb: {  	_ =	strace $0x80000047;
	s9 =	sadd.s32 s8, s9;
	s8 =	sadd.s32 s8, s6  }
0xc: {  	s11 =	ssub.s32 s5, s29;
	s30 =	sshrl.u32 s10, $0x2;
	s9 =	sadd.s32 s9, s6  }
0xd: {  	s10 =	sadd.s32 s30, s3;
	s5 =	sadd.s32 $0xE200, s8;
	s7 =	sadd.s32 s7, s6  }
0xe: {  	s6 =	sor.u32 $0x1C03, s31;
	s8 =	sadd.s32 $0x35A00, s9;
	s9 =	smax.u32 s11, $0x1  }
0xf: {  	s10 =	sshrl.u32 s10, $0x3;
	s11 =	simm.s32 $0x3;
	s7 =	sadd.s32 $0x4200, s7  }
.LBB2_1:
0x10: {  	[spmem:s10], [sflag:s6] =	dma.local [hbm:s5], $0x2780  }
0x11: {  	_ =	swait.ge [sflag:s11], $0x2780  }
0x12: {  	[sflag:s11] =	ssyncset.done $0x0  }
0x13: {  	[sflag:s11] =	ssyncadd.s32 $0xFFFFD880  }
0x14: {  	[tilespmem:s12], [sflag:$0x3] =	stream.linear.gather [hbm4b:s7+s4], $0x2800, $0x38;
	[tilespmem:$0x1A400] =	vst v63  }
0x15: {  	_ =	swait.ge [sflag:s11], $0x2800  }
0x16: {  	[sflag:s11] =	ssyncset.done $0x0  }
0x17: {  	[sflag:s11] =	ssyncadd.s32 $0xFFFFD800  }
0x18: {  	[tilespmem:s13], [sflag:$0x3] =	stream.linear.gather [hbm4b:s2+s4], $0x4000, $0x38;
	[tilespmem:$0x1A400] =	vst v63  }
0x19: {  	_ =	swait.ge [sflag:s11], $0x4000  }
0x1a: {  	[sflag:s11] =	ssyncset.done $0x0  }
0x1b: {  	[sflag:s11] =	ssyncadd.s32 $0xFFFFC000  }
0x1c: {  	[bflag:$0x0] =	sbarrier.arrive $0xFFFF  }
0x1d: {  	[spmem:s3] =	stream.indirect.scatter.add.f32 [tilespmem:s13], [sflag:$0x1], $0x80, s12, s14, $0xb8;
	[tilespmem:$0x1A400] =	vst v63  }
0x1e: {  	_ = 	snop  }
0x1f: {  	[spmem:s3] =	stream.indirect.scatter.add.f32 [tilespmem:s13], [sflag:$0x2], $0x80, s15, s14, $0xb8;
	[tilespmem:$0x1A400] =	vst v63  }
0x20: {  	_ =	swait.ge [sflag:s16], $0x4000  }
0x21: {  	[sflag:s16] =	ssyncset.done $0x0  }
0x22: {  	s19 =	simm.s32 $0x13D00;
	[sflag:s16] =	ssyncadd.s32 $0xFFFFC000  }
0x23: {  	[spmem:s3] =	stream.indirect.scatter.add.f32 [tilespmem:s13], [sflag:$0x1], $0x80, s19, s14, $0xb8;
	[tilespmem:$0x1A400] =	vst v63  }
0x24: {  	_ =	swait.ge [sflag:s17], $0x4000  }
0x25: {  	[sflag:s17] =	ssyncset.done $0x0  }
0x26: {  	s20 =	simm.s32 $0x13D80;
	s19 =	simm.s32 $0xFFFF6800;
	[sflag:s17] =	ssyncadd.s32 $0xFFFFC000  }
.LBB2_2:
0x27: {  	[spmem:s3] =	stream.indirect.scatter.add.f32 [tilespmem:s13], [sflag:$0x2], $0x80, s20, s14, $0xb8;
	[tilespmem:$0x1A400] =	vst v63  }
0x28: {  	s20 =	smov.u32 s19  }
0x29: {  	p0 =	sne.s32 s19, $0xFFFFFC00;
	s19 =	sadd.s32 $0x400, s19;
	_ =	swait.ge [sflag:s16], $0x4000  }
0x2a: {  	s20 =	sshra.s32 s20, $0x2;
	[sflag:s16] =	ssyncset.done $0x0  }
.Ltmp0:
0x2b: {  	s21 =	sadd.s32 $0x16400, s20;
	[sflag:s16] =	ssyncadd.s32 $0xFFFFC000;
	(pc) =	sbr.rel @p0 .LBB2_2-.Ltmp0, $4  }
0x2c: {  	[spmem:s3] =	stream.indirect.scatter.add.f32 [tilespmem:s13], [sflag:$0x1], $0x80, s21, s14, $0xb8;
	[tilespmem:$0x1A400] =	vst v63  }
0x2d: {  	_ =	swait.ge [sflag:s17], $0x4000  }
0x2e: {  	[sflag:s17] =	ssyncset.done $0x0  }
0x2f: {  	s20 =	sadd.s32 $0x16480, s20;
	[sflag:s17] =	ssyncadd.s32 $0xFFFFC000  }
0x30: {  	[spmem:s3] =	stream.indirect.scatter.add.f32 [tilespmem:s13], [sflag:$0x2], $0x80, s20, s14, $0xb8;
	[tilespmem:$0x1A400] =	vst v63  }
0x31: {  	_ =	swait.ge [sflag:s16], $0x4000  }
0x32: {  	[sflag:s16] =	ssyncset.done $0x0  }
0x33: {  	[sflag:s16] =	ssyncadd.s32 $0xFFFFC000  }
0x34: {  	_ =	swait.ge [sflag:s17], $0x4000  }
0x35: {  	s18 =	sadd.s32 $0x1, s18;
	[sflag:s17] =	ssyncset.done $0x0  }
0x36: {  	p0 =	sne.s32 s18, s9;
	[sflag:s17] =	ssyncadd.s32 $0xFFFFC000  }
.Ltmp1:
0x37: {  	[bflag:$0x0] =	sbarrier.arrive $0xFFFF;
	(pc) =	sbr.rel @p0 .LBB2_1-.Ltmp1, $4  }
0x38: {  	[hbm:s8], [sflag:s6] =	dma.local [spmem:s10], $0x2780  }
0x39: {  	_ =	swait.ge [sflag:s11], $0x2780  }
0x3a: {  	[sflag:s11] =	ssyncset.done $0x0  }
0x3b: {  	[sflag:s11] =	ssyncadd.s32 $0xFFFFD880  }
0x3c: {  	_ =	sfence.sel $0x180000  }
0x3d: {  	[bflag:$0x0] =	sbarrier.arrive $0xFFFF  }
0x3e: {  	p0 =	sne.s32 s0, $0x0;
	_ =	strace $0x90000047  }
0x3f: {  	s0 =	sadd.s32 @!p0 $0x100000, s1;
	[bflag:$0x2] =	sbarrier.arrive $0xFFFF  }
0x40: {  	[sflag:s0] =	ssyncadd.tile.s32 @!p0 $0x1;
	_ =	shalt  }
.Lfunc_end2:
_tile_overlayer_lowered:
.L_overlay_start_2:
0x41: {  	(tag) =	ssettag $0x2  }
0x42: {  	s0 =	rddreg [dreg:$0x0];
	s2 =	stileid.u32  }
0x43: {  	s1 =	rddreg [dreg:$0x1];
	p0 =	sne.s32 s2, $0x0  }
0x44: {  	s3 =	rddreg [dreg:$0x2];
	[bflag:$0x3] =	sbarrier.arrive $0xFFFF;
	s2 =	simm.s32 @!p0 $0x1C03  }
0x45: {  	[timem:s3], [sflag:s2] =	dma.local @!p0 [hbm:s0], s1  }
0x46: {  	s0 =	simm.s32 @!p0 $0x3  }
0x47: {  	_ =	swait.ge @!p0 [sflag:s0], s1  }
0x48: {  	s1 =	ssub.s32 @!p0 $0x0, s1;
	[sflag:s0] =	ssyncset.done @!p0 $0x0  }
0x49: {  	[sflag:s0] =	ssyncadd.s32 @!p0 s1  }
0x4a: {  	[bflag:$0x3] =	sbarrier.arrive $0xFFFF  }
0x4b: {  	_ =	shalt  }

// kernel: kernel.14.cloned.1.call-start
scs
__scs_entry_jumppad:
0x0: {  	(pc) =	sbr.rel $0x88, $3  }
0x1: {  	(tag) =	ssettag $0x0;
	lr =	simm.s32 $0x1  }
0x2: {  	[smem:$0x3F8D] =	sst lr;
	_ =	strace $0xD0000000  }
0x3: {  	_ = 	snop  }
0x4: {  	_ = 	snop  }
0x5: {  	_ = 	snop  }
0x6: {  	_ = 	snop  }
0x7: {  	_ = 	snop  }
__scs_overlays_trampoline_lowered:
0x8: {  	[smem:$0x3F9C] =	sst s0  }
0x9: {  	[smem:$0x3F9D] =	sst s1  }
0xa: {  	[smem:$0x3F9E] =	sst s2  }
0xb: {  	[smem:$0x3F9F] =	sst s3  }
0xc: {  	[smem:$0x3FA0] =	sst s4  }
0xd: {  	[smem:$0x3FA1] =	sst s5  }
0xe: {  	[smem:$0x3FA2] =	sst s6  }
0xf: {  	[smem:$0x3FA3] =	sst s7  }
0x10: {  	[smem:$0x3FA4] =	sst s8  }
0x11: {  	[smem:$0x3FA5] =	sst s9;
	s0 =	simm.s32 @!p0 $0x0  }
0x12: {  	s1 =	sld [smem:$0x3F8B];
	s0 =	simm.s32 @p0 $0x1  }
0x13: {  	[smem:$0x3FA6] =	sst s0;
	s0 =	simm.s32 @!p1 $0x0  }
0x14: {  	s2 =	sld [smem:$0x3F8A];
	s0 =	simm.s32 @p1 $0x1  }
0x15: {  	[smem:$0x3FA7] =	sst s0;
	s0 =	simm.s32 @!p2 $0x0  }
0x16: {  	s3 =	sld [smem:$0x3FDB];
	s0 =	simm.s32 @p2 $0x1  }
0x17: {  	s4 =	simm.s32 $0x1BF5;
	[smem:$0x3FA9] =	sst s0  }
0x18: {  	s0 =	sld [smem:$0x3F8C];
	_ =	swait.ge [sflag:s4], $0x0  }
0x19: {  	s7 =	sld [smem:$0x3F8D]  }
0x1a: {  	s8 =	sadd.s32 $0xFFFFE003, lr  }
0x1b: {  	s9 =	sadd.s32 $0xFFFFFEF7, lr;
	s5 =	simm.s32 $0xFFFFFFFF;
	p2 =	slt.u32 s8, $0xFFFFF086  }
0x1c: {  	p1 =	slt.u32 s9, $0xF7A;
	s5 =	simm.s32 @!p2 $0x0  }
0x1d: {  	s5 =	simm.s32 @p1 $0x1;
	p0 =	seq.s32 s7, s2  }
0x1e: {  	s7 =	smul.u32 @!p0 $0xF7A, s2;
	p2 =	seq.s32 @!p0 s5, $0x0  }
0x1f: {  	s9 =	smul.u32 $0xF7A, s1;
	s8 =	simm.s32 @!p0 $0x1BF5;
	p2 =	por !p2, p0  }
0x20: {  	[sflag:s8] =	ssyncset.s32 @!p0 $0xFFFFF086;
	s6 =	sadd.s32 @!p0 s3, s7;
	s7 =	simm.s32 @!p0 $0x108  }
0x21: {  	s3 =	sadd.s32 s3, s9;
	s6 =	sadd.s32 @!p0 $0x88, s6;
	s7 =	simm.s32 @p2 $0x1082  }
0x22: {  	[simem:s7], [sflag:s8] =	dma.local @!p0 [hbm:s6], $0xF7A  }
0x23: {  	s9 =	sor.u32 $0xD0000000, s2;
	s6 =	simm.s32 $0x108;
	_ =	swait.ge @!p0 [sflag:s8], $0x0  }
0x24: {  	s3 =	sadd.s32 $0x88, s3;
	s6 =	simm.s32 @!p1 $0x1082;
	[sflag:s4] =	ssyncset.s32 $0xFFFFF086  }
0x25: {  	[simem:s6], [sflag:s4] =	dma.local [hbm:s3], $0xF7A  }
0x26: {  	[smem:$0x3F8D] =	sst s1;
	(tag) =	ssettag s2;
	_ =	strace s9  }
0x27: {  	s1 =	sld [smem:$0x3F9D]  }
0x28: {  	s2 =	sld [smem:$0x3F9E]  }
0x29: {  	s4 =	sld [smem:$0x3FA0]  }
0x2a: {  	p0 =	seq.s32 s5, $0x0;
	s5 =	sld [smem:$0x3FA1]  }
0x2b: {  	s6 =	sld [smem:$0x3FA2]  }
0x2c: {  	s7 =	sld [smem:$0x3FA3]  }
0x2d: {  	s3 =	simm.s32 $0x108;
	s8 =	sld [smem:$0x3FA4]  }
0x2e: {  	s3 =	simm.s32 @!p0 $0x1082;
	s9 =	sld [smem:$0x3FA5]  }
0x2f: {  	lr =	sadd.s32 s0, s3;
	s0 =	sld [smem:$0x3F9C]  }
0x30: {  	s3 =	sld [smem:$0x3F9F]  }
0x31: {  	[smem:$0x3FA8] =	sst s10  }
0x32: {  	s10 =	sld [smem:$0x3FA6];
	_ =	sdelay $0x3  }
0x33: {  	p0 =	seq.s32 s10, $0x1;
	s10 =	sld [smem:$0x3FA8];
	_ =	sdelay $0x3  }
0x34: {  	[smem:$0x3FA8] =	sst s10  }
0x35: {  	s10 =	sld [smem:$0x3FA7];
	_ =	sdelay $0x3  }
0x36: {  	p1 =	seq.s32 s10, $0x1;
	s10 =	sld [smem:$0x3FA8];
	_ =	sdelay $0x3  }
0x37: {  	[smem:$0x3FA8] =	sst s10  }
0x38: {  	s10 =	sld [smem:$0x3FA9]  }
0x39: {  	_ = 	snop;
	(pc) =	sbr.ind lr, $3  }
0x3a: {  	_ = 	snop  }
0x3b: {  	_ = 	snop  }
0x3c: {  	p2 =	seq.s32 s10, $0x1;
	s10 =	sld [smem:$0x3FA8]  }
0x3d: {  	_ =	shalt  }
0x3e: {  	_ =	shalt  }
0x3f: {  	_ =	shalt  }
0x40: {  	_ =	shalt  }
0x41: {  	_ =	shalt  }
0x42: {  	_ =	shalt  }
0x43: {  	_ =	shalt  }
0x44: {  	_ =	shalt  }
0x45: {  	_ =	shalt  }
0x46: {  	_ =	shalt  }
0x47: {  	_ =	shalt  }
0x48: {  	_ =	shalt  }
0x49: {  	_ =	shalt  }
0x4a: {  	_ =	shalt  }
0x4b: {  	_ =	shalt  }
0x4c: {  	_ =	shalt  }
0x4d: {  	_ =	shalt  }
0x4e: {  	_ =	shalt  }
0x4f: {  	_ =	shalt  }
0x50: {  	_ =	shalt  }
0x51: {  	_ =	shalt  }
0x52: {  	_ =	shalt  }
0x53: {  	_ =	shalt  }
0x54: {  	_ =	shalt  }
0x55: {  	_ =	shalt  }
0x56: {  	_ =	shalt  }
0x57: {  	_ =	shalt  }
0x58: {  	_ =	shalt  }
0x59: {  	_ =	shalt  }
0x5a: {  	_ =	shalt  }
0x5b: {  	_ =	shalt  }
0x5c: {  	_ =	shalt  }
0x5d: {  	_ =	shalt  }
0x5e: {  	_ =	shalt  }
0x5f: {  	_ =	shalt  }
0x60: {  	_ =	shalt  }
0x61: {  	_ =	shalt  }
0x62: {  	_ =	shalt  }
0x63: {  	_ =	shalt  }
0x64: {  	_ =	shalt  }
0x65: {  	_ =	shalt  }
0x66: {  	_ =	shalt  }
0x67: {  	_ =	shalt  }
0x68: {  	_ =	shalt  }
0x69: {  	_ =	shalt  }
0x6a: {  	_ =	shalt  }
0x6b: {  	_ =	shalt  }
0x6c: {  	_ =	shalt  }
0x6d: {  	_ =	shalt  }
0x6e: {  	_ =	shalt  }
0x6f: {  	_ =	shalt  }
0x70: {  	_ =	shalt  }
0x71: {  	_ =	shalt  }
0x72: {  	_ =	shalt  }
0x73: {  	_ =	shalt  }
0x74: {  	_ =	shalt  }
0x75: {  	_ =	shalt  }
0x76: {  	_ =	shalt  }
0x77: {  	_ =	shalt  }
0x78: {  	_ =	shalt  }
0x79: {  	_ =	shalt  }
0x7a: {  	_ =	shalt  }
0x7b: {  	_ =	shalt  }
0x7c: {  	_ =	shalt  }
0x7d: {  	_ =	shalt  }
0x7e: {  	_ =	shalt  }
0x7f: {  	_ =	shalt  }
0x80: {  	_ =	shalt  }
0x81: {  	_ =	shalt  }
0x82: {  	_ =	shalt  }
0x83: {  	_ =	shalt  }
0x84: {  	_ =	shalt  }
0x85: {  	_ =	shalt  }
0x86: {  	_ =	shalt  }
0x87: {  	_ =	shalt  }
.Lfunc_end0:
.L_simem_size_0:
called_computation.1_lowered:
.L_overlay_start_0:
0x88: {  	s2 =	sld [smem:$0x3FD9]  }
0x89: {  	s3 =	sld [smem:$0x3FFE];
	_ =	sdelay $0x1  }
0x8a: {  	s1 =	srdreg.scid  }
0x8b: {  	s0 =	sand.u32 $0x1, s1  }
0x8c: {  	s16 =	sshll.u32 s0, $0xA;
	s2 =	sadd.s32 s3, s2  }
0x8d: {  	s2 =	sadd.s32 s2, s16  }
0x8e: {  	[smem:$0x3FB4] =	sst s2  }
0x8f: {  	_ = 	snop  }
0x90: {  	(tm) =	ssettm $0x1  }
0x91: {  	s17 =	sld [smem:$0x3FFB];
	_ =	sdelay $0x3  }
0x92: {  	_ =	strace s17  }
0x93: {  	s2 =	sld [smem:$0x3FFC];
	_ =	sdelay $0x3  }
0x94: {  	_ =	strace s2  }
0x95: {  	s2 =	sld [smem:$0x3FFD];
	_ =	sdelay $0x3  }
0x96: {  	_ =	strace s2  }
0x97: {  	_ =	strace $0x8FFFFFFF  }
0x98: {  	s18 =	sld [smem:$0x3FDB];
	_ =	sdelay $0x1  }
0x99: {  	s19 =	simm.s32 $_scs_section_size  }
0x9a: {  	s4 =	simm.s32 $_size__tile_overlayer_lowered;
	s5 =	simm.s32 $_tile_overlayer_lowered  }
0x9b: {  	s22 =	simm.s32 $0x1BFF;
	s21 =	sshll.u32 s5, $0x1;
	s2 =	sadd.s32 s19, s18  }
0x9c: {  	s6 =	simm.s32 $0x0;
	s20 =	sshll.u32 s4, $0x1;
	s4 =	sadd.s32 s21, s2  }
0x9d: {  	[timem:s6], [sflag:s22] =	dma.local [hbm:s4], s20  }
0x9e: {  	_ =	swait.ge [sflag:s22], s20  }
0x9f: {  	s3 =	ssub.s32 $0x0, s20;
	[sflag:s22] =	ssyncset.done $0x0  }
0xa0: {  	[sflag:s22] =	ssyncadd.s32 s3;
	_ =	sdelay $0x1  }
0xa1: {  	s23 =	simm.s32 $0x1B8B  }
0xa2: {  	_ =	swait.ge [sflag:s23], $0x1  }
0xa3: {  	[sflag:s23] =	ssyncset.done $0x0  }
0xa4: {  	s25 =	simm.s32 $0x1B8E;
	s24 =	sld [smem:$0x3FFE];
	[sflag:s23] =	ssyncadd.s32 $0xFFFFFFFF  }
0xa5: {  	s26 =	simm.s32 $execute0_lowered;
	[smem:$0x3FD2] =	sst s25  }
0xa6: {  	s4 =	sshll.u32 s26, $0x1;
	_ =	strace $0x80000049;
	[dreg:$0x1] =	wrdreg $0xFFFFFFFF  }
0xa7: {  	s28 =	simm.s32 $_size_execute0_lowered;
	s2 =	sadd.s32 s2, s4;
	[dreg:$0x0] =	wrdreg $0x0  }
0xa8: {  	s4 =	sshll.u32 s28, $0x1;
	[dreg:$0x2] =	wrdreg s2  }
0xa9: {  	[dreg:$0x3] =	wrdreg s4  }
0xaa: {  	[dreg:$0x4] =	wrdreg $0xC0  }
0xab: {  	_ =	task [dreg:s6], $0x5FFFF  }
0xac: {  	[dreg:$0x1] =	wrdreg $0xFFFFFFFF  }
0xad: {  	[dreg:$0x0] =	wrdreg $0x60  }
0xae: {  	[dreg:$0x2] =	wrdreg s24  }
0xaf: {  	[dreg:$0x3] =	wrdreg $0x0  }
0xb0: {  	[dreg:$0x4] =	wrdreg $0x9  }
0xb1: {  	_ =	task.clear_ibuf [dreg:s6], $0x5FFFF;
	_ =	strace $0x90000049  }
0xb2: {  	s29 =	simm.s32 $0x9;
	_ =	strace $0x8000004B  }
0xb3: {  	_ =	swait.ge [sflag:s29], $0x1  }
0xb4: {  	[sflag:s29] =	ssyncadd.s32 $0xFFFFFFFF  }
0xb5: {  	_ =	strace $0x9000004B  }
0xb6: {  	_ =	sfence  }
0xb7: {  	s30 =	sld [smem:$0x0];
	_ =	sdelay $0x2  }
0xb8: {  	s31 =	sshll.u32 s1, $0xD;
	s1 =	sshrl.u32 s1, $0x2  }
0xb9: {  	s3 =	sand.u32 $0x4000, s31;
	s1 =	sadd.s32 s1, s30  }
0xba: {  	s0 =	sor.u32 s3, s0;
	s1 =	sshll.u32 s1, $0x11  }
0xbb: {  	s0 =	sor.u32 s1, s0  }
0xbc: {  	s0 =	sadd.s32 $0x8F2B, s0  }
0xbd: {  	[sflag:s0] =	ssyncadd.remote.s32 $0x1  }
0xbe: {  	_ =	sfence.sel $0xFFFF  }
0xbf: {  	[dreg:$0x0] =	wrdreg $0xFFFFFFFF;
	(pc) =	sbr.abs _section_cstart, $3  }
0xc0: {  	[dreg:$0x1] =	wrdreg $0xFFFFFFFF  }
0xc1: {  	_ =	task.clear_ibuf [dreg:s6], $0x2FFFF;
	_ =	strace $0x9FFFFFFF  }
0xc2: {  	(tm) =	ssettm $0x7FFFFFFF  }
0xc3: {  	_ =	shalt  }
tec
execute0_lowered:
.L_overlay_start_1:
0x0: {  	(tag) =	ssettag $0x1  }
0x1: {  	s7 =	rddreg [dreg:$0x0]  }
0x2: {  	s2 =	rddreg [dreg:$0x1]  }
0x3: {  	s0 =	rddreg [dreg:$0x2];
	s1 =	stileid.u32  }
0x4: {  	s4 =	srdreg.scid;
	s3 =	simm.s32 $0x0;
	s15 =	simm.s32 $0x13C00  }
0x5: {  	s16 =	simm.s32 $0x15000;
	s17 =	simm.s32 $0x80;
	s18 =	simm.s32 $0x16400  }
0x6: {  	s19 =	simm.s32 $0x13C80;
	s20 =	simm.s32 $0x1A400;
	s21 =	simm.s32 $0x1  }
0x7: {  	s22 =	simm.s32 $0x2;
	s23 =	simm.s32 $0x3;
	s24 =	simm.s32 $0x4  }
0x8: {  	s25 =	simm.s32 $0x16300;
	s26 =	simm.s32 $0x16380;
	s8 =	smul.u32 $0x2780, s1  }
0x9: {  	s9 =	sand.u32 $0x1, s4;
	[smem:$0x7FF] =	sst s3;
	s4 =	sadd.s32 $0x98A00, s7  }
0xa: {  	s5 =	sadd.s32 $0x84A00, s7;
	s6 =	sadd.s32 $0x4200, s7;
	s11 =	smul.u32 $0x4F000, s1  }
0xb: {  	s31 =	sshll.u32 s1, $0x6;
	s10 =	smul.u32 $0x27800, s9;
	s29 =	ssub.s32 $0x2, s9  }
0xc: {  	_ =	strace $0x8000004A;
	s9 =	sshll.u32 s9, $0x4;
	s30 =	sshrl.u32 s29, $0x1  }
0xd: {  	s11 =	sshrl.u32 s11, $0x2;
	s9 =	sor.u32 s1, s9;
	s10 =	sadd.s32 s8, s10  }
0xe: {  	s8 =	sadd.s32 s8, s7;
	s13 =	ssub.s32 s29, s30;
	s14 =	sadd.s32 s11, s2  }
0xf: {  	s12 =	sadd.s32 s10, s7;
	s7 =	sadd.s32 $0xE200, s8;
	s8 =	smul.u32 $0xA0, s9  }
0x10: {  	s9 =	sor.u32 $0x1C05, s31;
	s10 =	smul.u32 $0xA0, s1;
	s11 =	sadd.s32 $0x134E00, s12  }
0x11: {  	s12 =	smax.u32 s13, $0x1;
	s13 =	sshrl.u32 s14, $0x3;
	s14 =	simm.s32 $0x5  }
.LBB2_1:
0x12: {  	[spmem:s13], [sflag:s9] =	dma.local [hbm:s7], $0x2780  }
0x13: {  	_ =	swait.ge [sflag:s14], $0x2780  }
0x14: {  	[sflag:s14] =	ssyncset.done $0x0  }
0x15: {  	[sflag:s14] =	ssyncadd.s32 $0xFFFFD880  }
0x16: {  	s28 =	simm.s32 $0x0;
	[bflag:$0x0] =	sbarrier.arrive $0xFFFF  }
.LBB2_2:
0x17: {  	s29 =	smul.u32 $0x28, s28;
	_ =	sdelay $0x1  }
0x18: {  	s30 =	sadd.s32 s8, s29  }
0x19: {  	s30 =	sshll.u32 s30, $0x4  }
0x1a: {  	s31 =	simm.s32 $0x0;
	s30 =	sadd.s32 s5, s30  }
0x1b: {  	[tilespmem:s15], [sflag:$0x5] =	stream.linear.gather [hbm4b:s30+s31], $0x1400, $0x38;
	[tilespmem:$0x1E400] =	vst v63  }
0x1c: {  	s29 =	sadd.s32 s10, s29;
	_ =	swait.ge [sflag:s14], $0x1400  }
0x1d: {  	s29 =	sshll.u32 s29, $0x4;
	[sflag:s14] =	ssyncset.done $0x0  }
0x1e: {  	s29 =	sadd.s32 s6, s29;
	[sflag:s14] =	ssyncadd.s32 $0xFFFFEC00  }
0x1f: {  	[tilespmem:s16], [sflag:$0x5] =	stream.linear.gather [hbm4b:s29+s31], $0x1400, $0x38;
	[tilespmem:$0x1E400] =	vst v63  }
0x20: {  	_ =	swait.ge [sflag:s14], $0x1400  }
0x21: {  	[sflag:s14] =	ssyncset.done $0x0  }
0x22: {  	[sflag:s14] =	ssyncadd.s32 $0xFFFFEC00  }
0x23: {  	[tilespmem:s18], [sflag:$0x1] =	stream.indirect.gather [hbm4b:s4+s17], $0x80, s15, s17, $0xb8;
	[tilespmem:$0x1E400] =	vst v63  }
0x24: {  	_ = 	snop  }
0x25: {  	[tilespmem:s20], [sflag:$0x2] =	stream.indirect.gather [hbm4b:s4+s17], $0x80, s19, s17, $0xb8;
	[tilespmem:$0x1E400] =	vst v63  }
0x26: {  	_ =	swait.ge [sflag:s21], $0x4000  }
0x27: {  	[sflag:s21] =	ssyncset.done $0x0  }
0x28: {  	s29 =	simm.s32 $0x15000;
	[sflag:s21] =	ssyncadd.s32 $0xFFFFC000  }
0x29: {  	[spmem:s2] =	stream.indirect.scatter.add.f32 [tilespmem:s18], [sflag:$0x3], $0x80, s29, s17, $0xb8;
	[tilespmem:$0x1E400] =	vst v63  }
0x2a: {  	_ =	swait.ge [sflag:s22], $0x4000  }
0x2b: {  	[sflag:s22] =	ssyncset.done $0x0  }
0x2c: {  	s29 =	simm.s32 $0x15080;
	[sflag:s22] =	ssyncadd.s32 $0xFFFFC000  }
0x2d: {  	[spmem:s2] =	stream.indirect.scatter.add.f32 [tilespmem:s20], [sflag:$0x4], $0x80, s29, s17, $0xb8;
	[tilespmem:$0x1E400] =	vst v63  }
0x2e: {  	_ =	swait.ge [sflag:s23], $0x4000  }
0x2f: {  	[sflag:s23] =	ssyncset.done $0x0  }
0x30: {  	s29 =	simm.s32 $0x13D00;
	[sflag:s23] =	ssyncadd.s32 $0xFFFFC000  }
0x31: {  	[tilespmem:s18], [sflag:$0x1] =	stream.indirect.gather [hbm4b:s4+s17], $0x80, s29, s17, $0xb8;
	[tilespmem:$0x1E400] =	vst v63  }
0x32: {  	_ =	swait.ge [sflag:s24], $0x4000  }
0x33: {  	[sflag:s24] =	ssyncset.done $0x0  }
0x34: {  	s30 =	simm.s32 $0x13D80;
	s29 =	simm.s32 $0x400;
	[sflag:s24] =	ssyncadd.s32 $0xFFFFC000  }
.LBB2_3:
0x35: {  	[tilespmem:s20], [sflag:$0x2] =	stream.indirect.gather [hbm4b:s4+s17], $0x80, s30, s17, $0xb8;
	[tilespmem:$0x1E400] =	vst v63  }
0x36: {  	s30 =	smov.u32 s29  }
0x37: {  	p0 =	sne.s32 s29, $0x4800;
	s29 =	sadd.s32 $0x400, s29;
	_ =	swait.ge [sflag:s21], $0x4000  }
0x38: {  	s30 =	sshra.s32 s30, $0x2;
	[sflag:s21] =	ssyncset.done $0x0  }
0x39: {  	s31 =	sadd.s32 $0x15000, s30;
	[sflag:s21] =	ssyncadd.s32 $0xFFFFC000  }
0x3a: {  	[spmem:s2] =	stream.indirect.scatter.add.f32 [tilespmem:s18], [sflag:$0x3], $0x80, s31, s17, $0xb8;
	[tilespmem:$0x1E400] =	vst v63  }
0x3b: {  	_ =	swait.ge [sflag:s22], $0x4000  }
0x3c: {  	[sflag:s22] =	ssyncset.done $0x0  }
0x3d: {  	s31 =	sadd.s32 $0x15080, s30;
	[sflag:s22] =	ssyncadd.s32 $0xFFFFC000  }
0x3e: {  	[spmem:s2] =	stream.indirect.scatter.add.f32 [tilespmem:s20], [sflag:$0x4], $0x80, s31, s17, $0xb8;
	[tilespmem:$0x1E400] =	vst v63  }
0x3f: {  	_ =	swait.ge [sflag:s23], $0x4000  }
0x40: {  	[sflag:s23] =	ssyncset.done $0x0  }
.Ltmp0:
0x41: {  	s31 =	sadd.s32 $0x13D00, s30;
	[sflag:s23] =	ssyncadd.s32 $0xFFFFC000;
	(pc) =	sbr.rel @p0 .LBB2_3-.Ltmp0, $4  }
0x42: {  	[tilespmem:s18], [sflag:$0x1] =	stream.indirect.gather [hbm4b:s4+s17], $0x80, s31, s17, $0xb8;
	[tilespmem:$0x1E400] =	vst v63  }
0x43: {  	_ =	swait.ge [sflag:s24], $0x4000  }
0x44: {  	[sflag:s24] =	ssyncset.done $0x0  }
0x45: {  	s30 =	sadd.s32 $0x13D80, s30;
	[sflag:s24] =	ssyncadd.s32 $0xFFFFC000  }
0x46: {  	[tilespmem:s20], [sflag:$0x2] =	stream.indirect.gather [hbm4b:s4+s17], $0x80, s30, s17, $0xb8;
	[tilespmem:$0x1E400] =	vst v63  }
0x47: {  	_ =	swait.ge [sflag:s21], $0x4000  }
0x48: {  	[sflag:s21] =	ssyncset.done $0x0  }
0x49: {  	[sflag:s21] =	ssyncadd.s32 $0xFFFFC000  }
0x4a: {  	[spmem:s2] =	stream.indirect.scatter.add.f32 [tilespmem:s18], [sflag:$0x3], $0x80, s25, s17, $0xb8;
	[tilespmem:$0x1E400] =	vst v63  }
0x4b: {  	_ =	swait.ge [sflag:s22], $0x4000  }
0x4c: {  	[sflag:s22] =	ssyncset.done $0x0  }
0x4d: {  	s28 =	sadd.s32 $0x1, s28;
	[sflag:s22] =	ssyncadd.s32 $0xFFFFC000  }
0x4e: {  	[spmem:s2] =	stream.indirect.scatter.add.f32 [tilespmem:s20], [sflag:$0x4], $0x80, s26, s17, $0xb8;
	[tilespmem:$0x1E400] =	vst v63  }
0x4f: {  	p0 =	sne.s32 s28, $0x4;
	_ =	swait.ge [sflag:s23], $0x4000  }
.Ltmp1:
0x50: {  	[sflag:s23] =	ssyncset.done $0x0;
	(pc) =	sbr.rel @p0 .LBB2_2-.Ltmp1, $4  }
0x51: {  	[sflag:s23] =	ssyncadd.s32 $0xFFFFC000  }
0x52: {  	_ =	swait.ge [sflag:s24], $0x4000  }
0x53: {  	[sflag:s24] =	ssyncset.done $0x0  }
0x54: {  	[sflag:s24] =	ssyncadd.s32 $0xFFFFC000  }
0x55: {  	s3 =	sadd.s32 $0x1, s3  }
0x56: {  	p0 =	sne.s32 s3, s12  }
.Ltmp2:
0x57: {  	[bflag:$0x0] =	sbarrier.arrive $0xFFFF;
	(pc) =	sbr.rel @p0 .LBB2_1-.Ltmp2, $4  }
0x58: {  	[hbm:s11], [sflag:s9] =	dma.local [spmem:s13], $0x2780  }
0x59: {  	_ =	swait.ge [sflag:s14], $0x2780  }
0x5a: {  	[sflag:s14] =	ssyncset.done $0x0  }
0x5b: {  	[sflag:s14] =	ssyncadd.s32 $0xFFFFD880  }
0x5c: {  	_ =	sfence.sel $0x180000  }
0x5d: {  	[bflag:$0x0] =	sbarrier.arrive $0xFFFF  }
0x5e: {  	p0 =	sne.s32 s1, $0x0;
	_ =	strace $0x9000004A  }
0x5f: {  	s0 =	sadd.s32 @!p0 $0x100000, s0;
	[bflag:$0x2] =	sbarrier.arrive $0xFFFF  }
0x60: {  	[sflag:s0] =	ssyncadd.tile.s32 @!p0 $0x1;
	_ =	shalt  }
.Lfunc_end2:
_tile_overlayer_lowered:
.L_overlay_start_2:
0x61: {  	(tag) =	ssettag $0x2  }
0x62: {  	s0 =	rddreg [dreg:$0x0];
	s2 =	stileid.u32  }
0x63: {  	s1 =	rddreg [dreg:$0x1];
	p0 =	sne.s32 s2, $0x0  }
0x64: {  	s3 =	rddreg [dreg:$0x2];
	[bflag:$0x3] =	sbarrier.arrive $0xFFFF;
	s2 =	simm.s32 @!p0 $0x1C05  }
0x65: {  	[timem:s3], [sflag:s2] =	dma.local @!p0 [hbm:s0], s1  }
0x66: {  	s0 =	simm.s32 @!p0 $0x5  }
0x67: {  	_ =	swait.ge @!p0 [sflag:s0], s1  }
0x68: {  	s1 =	ssub.s32 @!p0 $0x0, s1;
	[sflag:s0] =	ssyncset.done @!p0 $0x0  }
0x69: {  	[sflag:s0] =	ssyncadd.s32 @!p0 s1  }
0x6a: {  	[bflag:$0x3] =	sbarrier.arrive $0xFFFF  }
0x6b: {  	_ =	shalt  }

// kernel: kernel.17.cloned.1.call-start
scs
__scs_entry_jumppad:
0x0: {  	(pc) =	sbr.rel $0x88, $3  }
0x1: {  	(tag) =	ssettag $0x0;
	lr =	simm.s32 $0x1  }
0x2: {  	[smem:$0x3F8D] =	sst lr;
	_ =	strace $0xD0000000  }
0x3: {  	_ = 	snop  }
0x4: {  	_ = 	snop  }
0x5: {  	_ = 	snop  }
0x6: {  	_ = 	snop  }
0x7: {  	_ = 	snop  }
__scs_overlays_trampoline_lowered:
0x8: {  	[smem:$0x3F9C] =	sst s0  }
0x9: {  	[smem:$0x3F9D] =	sst s1  }
0xa: {  	[smem:$0x3F9E] =	sst s2  }
0xb: {  	[smem:$0x3F9F] =	sst s3  }
0xc: {  	[smem:$0x3FA0] =	sst s4  }
0xd: {  	[smem:$0x3FA1] =	sst s5  }
0xe: {  	[smem:$0x3FA2] =	sst s6  }
0xf: {  	[smem:$0x3FA3] =	sst s7  }
0x10: {  	[smem:$0x3FA4] =	sst s8  }
0x11: {  	[smem:$0x3FA5] =	sst s9;
	s0 =	simm.s32 @!p0 $0x0  }
0x12: {  	s1 =	sld [smem:$0x3F8B];
	s0 =	simm.s32 @p0 $0x1  }
0x13: {  	[smem:$0x3FA6] =	sst s0;
	s0 =	simm.s32 @!p1 $0x0  }
0x14: {  	s2 =	sld [smem:$0x3F8A];
	s0 =	simm.s32 @p1 $0x1  }
0x15: {  	[smem:$0x3FA7] =	sst s0;
	s0 =	simm.s32 @!p2 $0x0  }
0x16: {  	s3 =	sld [smem:$0x3FDB];
	s0 =	simm.s32 @p2 $0x1  }
0x17: {  	s4 =	simm.s32 $0x1BF5;
	[smem:$0x3FA9] =	sst s0  }
0x18: {  	s0 =	sld [smem:$0x3F8C];
	_ =	swait.ge [sflag:s4], $0x0  }
0x19: {  	s7 =	sld [smem:$0x3F8D]  }
0x1a: {  	s8 =	sadd.s32 $0xFFFFE003, lr  }
0x1b: {  	s9 =	sadd.s32 $0xFFFFFEF7, lr;
	s5 =	simm.s32 $0xFFFFFFFF;
	p2 =	slt.u32 s8, $0xFFFFF086  }
0x1c: {  	p1 =	slt.u32 s9, $0xF7A;
	s5 =	simm.s32 @!p2 $0x0  }
0x1d: {  	s5 =	simm.s32 @p1 $0x1;
	p0 =	seq.s32 s7, s2  }
0x1e: {  	s7 =	smul.u32 @!p0 $0xF7A, s2;
	p2 =	seq.s32 @!p0 s5, $0x0  }
0x1f: {  	s9 =	smul.u32 $0xF7A, s1;
	s8 =	simm.s32 @!p0 $0x1BF5;
	p2 =	por !p2, p0  }
0x20: {  	[sflag:s8] =	ssyncset.s32 @!p0 $0xFFFFF086;
	s6 =	sadd.s32 @!p0 s3, s7;
	s7 =	simm.s32 @!p0 $0x108  }
0x21: {  	s3 =	sadd.s32 s3, s9;
	s6 =	sadd.s32 @!p0 $0x88, s6;
	s7 =	simm.s32 @p2 $0x1082  }
0x22: {  	[simem:s7], [sflag:s8] =	dma.local @!p0 [hbm:s6], $0xF7A  }
0x23: {  	s9 =	sor.u32 $0xD0000000, s2;
	s6 =	simm.s32 $0x108;
	_ =	swait.ge @!p0 [sflag:s8], $0x0  }
0x24: {  	s3 =	sadd.s32 $0x88, s3;
	s6 =	simm.s32 @!p1 $0x1082;
	[sflag:s4] =	ssyncset.s32 $0xFFFFF086  }
0x25: {  	[simem:s6], [sflag:s4] =	dma.local [hbm:s3], $0xF7A  }
0x26: {  	[smem:$0x3F8D] =	sst s1;
	(tag) =	ssettag s2;
	_ =	strace s9  }
0x27: {  	s1 =	sld [smem:$0x3F9D]  }
0x28: {  	s2 =	sld [smem:$0x3F9E]  }
0x29: {  	s4 =	sld [smem:$0x3FA0]  }
0x2a: {  	p0 =	seq.s32 s5, $0x0;
	s5 =	sld [smem:$0x3FA1]  }
0x2b: {  	s6 =	sld [smem:$0x3FA2]  }
0x2c: {  	s7 =	sld [smem:$0x3FA3]  }
0x2d: {  	s3 =	simm.s32 $0x108;
	s8 =	sld [smem:$0x3FA4]  }
0x2e: {  	s3 =	simm.s32 @!p0 $0x1082;
	s9 =	sld [smem:$0x3FA5]  }
0x2f: {  	lr =	sadd.s32 s0, s3;
	s0 =	sld [smem:$0x3F9C]  }
0x30: {  	s3 =	sld [smem:$0x3F9F]  }
0x31: {  	[smem:$0x3FA8] =	sst s10  }
0x32: {  	s10 =	sld [smem:$0x3FA6];
	_ =	sdelay $0x3  }
0x33: {  	p0 =	seq.s32 s10, $0x1;
	s10 =	sld [smem:$0x3FA8];
	_ =	sdelay $0x3  }
0x34: {  	[smem:$0x3FA8] =	sst s10  }
0x35: {  	s10 =	sld [smem:$0x3FA7];
	_ =	sdelay $0x3  }
0x36: {  	p1 =	seq.s32 s10, $0x1;
	s10 =	sld [smem:$0x3FA8];
	_ =	sdelay $0x3  }
0x37: {  	[smem:$0x3FA8] =	sst s10  }
0x38: {  	s10 =	sld [smem:$0x3FA9]  }
0x39: {  	_ = 	snop;
	(pc) =	sbr.ind lr, $3  }
0x3a: {  	_ = 	snop  }
0x3b: {  	_ = 	snop  }
0x3c: {  	p2 =	seq.s32 s10, $0x1;
	s10 =	sld [smem:$0x3FA8]  }
0x3d: {  	_ =	shalt  }
0x3e: {  	_ =	shalt  }
0x3f: {  	_ =	shalt  }
0x40: {  	_ =	shalt  }
0x41: {  	_ =	shalt  }
0x42: {  	_ =	shalt  }
0x43: {  	_ =	shalt  }
0x44: {  	_ =	shalt  }
0x45: {  	_ =	shalt  }
0x46: {  	_ =	shalt  }
0x47: {  	_ =	shalt  }
0x48: {  	_ =	shalt  }
0x49: {  	_ =	shalt  }
0x4a: {  	_ =	shalt  }
0x4b: {  	_ =	shalt  }
0x4c: {  	_ =	shalt  }
0x4d: {  	_ =	shalt  }
0x4e: {  	_ =	shalt  }
0x4f: {  	_ =	shalt  }
0x50: {  	_ =	shalt  }
0x51: {  	_ =	shalt  }
0x52: {  	_ =	shalt  }
0x53: {  	_ =	shalt  }
0x54: {  	_ =	shalt  }
0x55: {  	_ =	shalt  }
0x56: {  	_ =	shalt  }
0x57: {  	_ =	shalt  }
0x58: {  	_ =	shalt  }
0x59: {  	_ =	shalt  }
0x5a: {  	_ =	shalt  }
0x5b: {  	_ =	shalt  }
0x5c: {  	_ =	shalt  }
0x5d: {  	_ =	shalt  }
0x5e: {  	_ =	shalt  }
0x5f: {  	_ =	shalt  }
0x60: {  	_ =	shalt  }
0x61: {  	_ =	shalt  }
0x62: {  	_ =	shalt  }
0x63: {  	_ =	shalt  }
0x64: {  	_ =	shalt  }
0x65: {  	_ =	shalt  }
0x66: {  	_ =	shalt  }
0x67: {  	_ =	shalt  }
0x68: {  	_ =	shalt  }
0x69: {  	_ =	shalt  }
0x6a: {  	_ =	shalt  }
0x6b: {  	_ =	shalt  }
0x6c: {  	_ =	shalt  }
0x6d: {  	_ =	shalt  }
0x6e: {  	_ =	shalt  }
0x6f: {  	_ =	shalt  }
0x70: {  	_ =	shalt  }
0x71: {  	_ =	shalt  }
0x72: {  	_ =	shalt  }
0x73: {  	_ =	shalt  }
0x74: {  	_ =	shalt  }
0x75: {  	_ =	shalt  }
0x76: {  	_ =	shalt  }
0x77: {  	_ =	shalt  }
0x78: {  	_ =	shalt  }
0x79: {  	_ =	shalt  }
0x7a: {  	_ =	shalt  }
0x7b: {  	_ =	shalt  }
0x7c: {  	_ =	shalt  }
0x7d: {  	_ =	shalt  }
0x7e: {  	_ =	shalt  }
0x7f: {  	_ =	shalt  }
0x80: {  	_ =	shalt  }
0x81: {  	_ =	shalt  }
0x82: {  	_ =	shalt  }
0x83: {  	_ =	shalt  }
0x84: {  	_ =	shalt  }
0x85: {  	_ =	shalt  }
0x86: {  	_ =	shalt  }
0x87: {  	_ =	shalt  }
.Lfunc_end0:
.L_simem_size_0:
called_computation.2_lowered:
.L_overlay_start_0:
0x88: {  	s2 =	sld [smem:$0x3FD9]  }
0x89: {  	s3 =	sld [smem:$0x3FFE];
	_ =	sdelay $0x1  }
0x8a: {  	s1 =	srdreg.scid  }
0x8b: {  	s0 =	sand.u32 $0x1, s1  }
0x8c: {  	s16 =	sshll.u32 s0, $0xA;
	s2 =	sadd.s32 s3, s2  }
0x8d: {  	s2 =	sadd.s32 s2, s16  }
0x8e: {  	[smem:$0x3FB4] =	sst s2  }
0x8f: {  	_ = 	snop  }
0x90: {  	(tm) =	ssettm $0x1  }
0x91: {  	s17 =	sld [smem:$0x3FFB];
	_ =	sdelay $0x3  }
0x92: {  	_ =	strace s17  }
0x93: {  	s2 =	sld [smem:$0x3FFC];
	_ =	sdelay $0x3  }
0x94: {  	_ =	strace s2  }
0x95: {  	s2 =	sld [smem:$0x3FFD];
	_ =	sdelay $0x3  }
0x96: {  	_ =	strace s2  }
0x97: {  	_ =	strace $0x8FFFFFFF  }
0x98: {  	s18 =	sld [smem:$0x3FDB];
	_ =	sdelay $0x1  }
0x99: {  	s19 =	simm.s32 $_scs_section_size  }
0x9a: {  	s4 =	simm.s32 $_size__tile_overlayer_lowered;
	s5 =	simm.s32 $_tile_overlayer_lowered  }
0x9b: {  	s22 =	simm.s32 $0x1BFF;
	s21 =	sshll.u32 s5, $0x1;
	s2 =	sadd.s32 s19, s18  }
0x9c: {  	s6 =	simm.s32 $0x0;
	s20 =	sshll.u32 s4, $0x1;
	s4 =	sadd.s32 s21, s2  }
0x9d: {  	[timem:s6], [sflag:s22] =	dma.local [hbm:s4], s20  }
0x9e: {  	_ =	swait.ge [sflag:s22], s20  }
0x9f: {  	s3 =	ssub.s32 $0x0, s20;
	[sflag:s22] =	ssyncset.done $0x0  }
0xa0: {  	[sflag:s22] =	ssyncadd.s32 s3;
	_ =	sdelay $0x1  }
0xa1: {  	s23 =	simm.s32 $0x1B8B  }
0xa2: {  	_ =	swait.ge [sflag:s23], $0x1  }
0xa3: {  	[sflag:s23] =	ssyncset.done $0x0  }
0xa4: {  	s25 =	simm.s32 $0x1B8E;
	s24 =	sld [smem:$0x3FFE];
	[sflag:s23] =	ssyncadd.s32 $0xFFFFFFFF  }
0xa5: {  	s26 =	simm.s32 $execute0_lowered;
	[smem:$0x3FD2] =	sst s25  }
0xa6: {  	s4 =	sshll.u32 s26, $0x1;
	_ =	strace $0x8000004C;
	[dreg:$0x1] =	wrdreg $0xFFFFFFFF  }
0xa7: {  	s28 =	simm.s32 $_size_execute0_lowered;
	s2 =	sadd.s32 s2, s4;
	[dreg:$0x0] =	wrdreg $0x0  }
0xa8: {  	s4 =	sshll.u32 s28, $0x1;
	[dreg:$0x2] =	wrdreg s2  }
0xa9: {  	[dreg:$0x3] =	wrdreg s4  }
0xaa: {  	[dreg:$0x4] =	wrdreg $0xC0  }
0xab: {  	_ =	task [dreg:s6], $0x5FFFF  }
0xac: {  	[dreg:$0x1] =	wrdreg $0xFFFFFFFF  }
0xad: {  	[dreg:$0x0] =	wrdreg $0x60  }
0xae: {  	[dreg:$0x2] =	wrdreg s24  }
0xaf: {  	[dreg:$0x3] =	wrdreg $0x0  }
0xb0: {  	[dreg:$0x4] =	wrdreg $0x9  }
0xb1: {  	_ =	task.clear_ibuf [dreg:s6], $0x5FFFF;
	_ =	strace $0x9000004C  }
0xb2: {  	s29 =	simm.s32 $0x9;
	_ =	strace $0x8000004E  }
0xb3: {  	_ =	swait.ge [sflag:s29], $0x1  }
0xb4: {  	[sflag:s29] =	ssyncadd.s32 $0xFFFFFFFF  }
0xb5: {  	_ =	strace $0x9000004E  }
0xb6: {  	_ =	sfence  }
0xb7: {  	s30 =	sld [smem:$0x0];
	_ =	sdelay $0x2  }
0xb8: {  	s31 =	sshll.u32 s1, $0xD;
	s1 =	sshrl.u32 s1, $0x2  }
0xb9: {  	s3 =	sand.u32 $0x4000, s31;
	s1 =	sadd.s32 s1, s30  }
0xba: {  	s0 =	sor.u32 s3, s0;
	s1 =	sshll.u32 s1, $0x11  }
0xbb: {  	s0 =	sor.u32 s1, s0  }
0xbc: {  	s0 =	sadd.s32 $0x8F2B, s0  }
0xbd: {  	[sflag:s0] =	ssyncadd.remote.s32 $0x1  }
0xbe: {  	_ =	sfence.sel $0xFFFF  }
0xbf: {  	[dreg:$0x0] =	wrdreg $0xFFFFFFFF;
	(pc) =	sbr.abs _section_cstart, $3  }
0xc0: {  	[dreg:$0x1] =	wrdreg $0xFFFFFFFF  }
0xc1: {  	_ =	task.clear_ibuf [dreg:s6], $0x2FFFF;
	_ =	strace $0x9FFFFFFF  }
0xc2: {  	(tm) =	ssettm $0x7FFFFFFF  }
0xc3: {  	_ =	shalt  }
tec
execute0_lowered:
.L_overlay_start_1:
0x0: {  	(tag) =	ssettag $0x1  }
0x1: {  	s7 =	rddreg [dreg:$0x0]  }
0x2: {  	s2 =	rddreg [dreg:$0x1]  }
0x3: {  	s0 =	rddreg [dreg:$0x2];
	s1 =	stileid.u32  }
0x4: {  	s4 =	srdreg.scid;
	s3 =	simm.s32 $0x0;
	s15 =	simm.s32 $0x13C00  }
0x5: {  	s16 =	simm.s32 $0x15000;
	s17 =	simm.s32 $0x80;
	s18 =	simm.s32 $0x16400  }
0x6: {  	s19 =	simm.s32 $0x13C80;
	s20 =	simm.s32 $0x1A400;
	s21 =	simm.s32 $0x1  }
0x7: {  	s22 =	simm.s32 $0x2;
	s23 =	simm.s32 $0x3;
	s24 =	simm.s32 $0x4  }
0x8: {  	s25 =	simm.s32 $0x16300;
	s26 =	simm.s32 $0x16380;
	s8 =	smul.u32 $0x2780, s1  }
0x9: {  	s9 =	sand.u32 $0x1, s4;
	[smem:$0x7FF] =	sst s3;
	s4 =	sadd.s32 $0x98A00, s7  }
0xa: {  	s5 =	sadd.s32 $0x84A00, s7;
	s6 =	sadd.s32 $0x4200, s7;
	s11 =	smul.u32 $0x4F000, s1  }
0xb: {  	s31 =	sshll.u32 s1, $0x6;
	s10 =	smul.u32 $0x27800, s9;
	s29 =	ssub.s32 $0x2, s9  }
0xc: {  	_ =	strace $0x8000004D;
	s9 =	sshll.u32 s9, $0x4;
	s30 =	sshrl.u32 s29, $0x1  }
0xd: {  	s11 =	sshrl.u32 s11, $0x2;
	s9 =	sor.u32 s1, s9;
	s10 =	sadd.s32 s8, s10  }
0xe: {  	s8 =	sadd.s32 s8, s7;
	s13 =	ssub.s32 s29, s30;
	s14 =	sadd.s32 s11, s2  }
0xf: {  	s12 =	sadd.s32 s10, s7;
	s7 =	sadd.s32 $0xE200, s8;
	s8 =	smul.u32 $0xA0, s9  }
0x10: {  	s9 =	sor.u32 $0x1C05, s31;
	s10 =	smul.u32 $0xA0, s1;
	s11 =	sadd.s32 $0x134E00, s12  }
0x11: {  	s12 =	smax.u32 s13, $0x1;
	s13 =	sshrl.u32 s14, $0x3;
	s14 =	simm.s32 $0x5  }
.LBB2_1:
0x12: {  	[spmem:s13], [sflag:s9] =	dma.local [hbm:s7], $0x2780  }
0x13: {  	_ =	swait.ge [sflag:s14], $0x2780  }
0x14: {  	[sflag:s14] =	ssyncset.done $0x0  }
0x15: {  	[sflag:s14] =	ssyncadd.s32 $0xFFFFD880  }
0x16: {  	s28 =	simm.s32 $0x0;
	[bflag:$0x0] =	sbarrier.arrive $0xFFFF  }
.LBB2_2:
0x17: {  	s29 =	smul.u32 $0x28, s28;
	_ =	sdelay $0x1  }
0x18: {  	s30 =	sadd.s32 s8, s29  }
0x19: {  	s30 =	sshll.u32 s30, $0x4  }
0x1a: {  	s31 =	simm.s32 $0x0;
	s30 =	sadd.s32 s5, s30  }
0x1b: {  	[tilespmem:s15], [sflag:$0x5] =	stream.linear.gather [hbm4b:s30+s31], $0x1400, $0x38;
	[tilespmem:$0x1E400] =	vst v63  }
0x1c: {  	s29 =	sadd.s32 s10, s29;
	_ =	swait.ge [sflag:s14], $0x1400  }
0x1d: {  	s29 =	sshll.u32 s29, $0x4;
	[sflag:s14] =	ssyncset.done $0x0  }
0x1e: {  	s29 =	sadd.s32 s6, s29;
	[sflag:s14] =	ssyncadd.s32 $0xFFFFEC00  }
0x1f: {  	[tilespmem:s16], [sflag:$0x5] =	stream.linear.gather [hbm4b:s29+s31], $0x1400, $0x38;
	[tilespmem:$0x1E400] =	vst v63  }
0x20: {  	_ =	swait.ge [sflag:s14], $0x1400  }
0x21: {  	[sflag:s14] =	ssyncset.done $0x0  }
0x22: {  	[sflag:s14] =	ssyncadd.s32 $0xFFFFEC00  }
0x23: {  	[tilespmem:s18], [sflag:$0x1] =	stream.indirect.gather [hbm4b:s4+s17], $0x80, s15, s17, $0xb8;
	[tilespmem:$0x1E400] =	vst v63  }
0x24: {  	_ = 	snop  }
0x25: {  	[tilespmem:s20], [sflag:$0x2] =	stream.indirect.gather [hbm4b:s4+s17], $0x80, s19, s17, $0xb8;
	[tilespmem:$0x1E400] =	vst v63  }
0x26: {  	_ =	swait.ge [sflag:s21], $0x4000  }
0x27: {  	[sflag:s21] =	ssyncset.done $0x0  }
0x28: {  	s29 =	simm.s32 $0x15000;
	[sflag:s21] =	ssyncadd.s32 $0xFFFFC000  }
0x29: {  	[spmem:s2] =	stream.indirect.scatter.add.f32 [tilespmem:s18], [sflag:$0x3], $0x80, s29, s17, $0xb8;
	[tilespmem:$0x1E400] =	vst v63  }
0x2a: {  	_ =	swait.ge [sflag:s22], $0x4000  }
0x2b: {  	[sflag:s22] =	ssyncset.done $0x0  }
0x2c: {  	s29 =	simm.s32 $0x15080;
	[sflag:s22] =	ssyncadd.s32 $0xFFFFC000  }
0x2d: {  	[spmem:s2] =	stream.indirect.scatter.add.f32 [tilespmem:s20], [sflag:$0x4], $0x80, s29, s17, $0xb8;
	[tilespmem:$0x1E400] =	vst v63  }
0x2e: {  	_ =	swait.ge [sflag:s23], $0x4000  }
0x2f: {  	[sflag:s23] =	ssyncset.done $0x0  }
0x30: {  	s29 =	simm.s32 $0x13D00;
	[sflag:s23] =	ssyncadd.s32 $0xFFFFC000  }
0x31: {  	[tilespmem:s18], [sflag:$0x1] =	stream.indirect.gather [hbm4b:s4+s17], $0x80, s29, s17, $0xb8;
	[tilespmem:$0x1E400] =	vst v63  }
0x32: {  	_ =	swait.ge [sflag:s24], $0x4000  }
0x33: {  	[sflag:s24] =	ssyncset.done $0x0  }
0x34: {  	s30 =	simm.s32 $0x13D80;
	s29 =	simm.s32 $0x400;
	[sflag:s24] =	ssyncadd.s32 $0xFFFFC000  }
.LBB2_3:
0x35: {  	[tilespmem:s20], [sflag:$0x2] =	stream.indirect.gather [hbm4b:s4+s17], $0x80, s30, s17, $0xb8;
	[tilespmem:$0x1E400] =	vst v63  }
0x36: {  	s30 =	smov.u32 s29  }
0x37: {  	p0 =	sne.s32 s29, $0x4800;
	s29 =	sadd.s32 $0x400, s29;
	_ =	swait.ge [sflag:s21], $0x4000  }
0x38: {  	s30 =	sshra.s32 s30, $0x2;
	[sflag:s21] =	ssyncset.done $0x0  }
0x39: {  	s31 =	sadd.s32 $0x15000, s30;
	[sflag:s21] =	ssyncadd.s32 $0xFFFFC000  }
0x3a: {  	[spmem:s2] =	stream.indirect.scatter.add.f32 [tilespmem:s18], [sflag:$0x3], $0x80, s31, s17, $0xb8;
	[tilespmem:$0x1E400] =	vst v63  }
0x3b: {  	_ =	swait.ge [sflag:s22], $0x4000  }
0x3c: {  	[sflag:s22] =	ssyncset.done $0x0  }
0x3d: {  	s31 =	sadd.s32 $0x15080, s30;
	[sflag:s22] =	ssyncadd.s32 $0xFFFFC000  }
0x3e: {  	[spmem:s2] =	stream.indirect.scatter.add.f32 [tilespmem:s20], [sflag:$0x4], $0x80, s31, s17, $0xb8;
	[tilespmem:$0x1E400] =	vst v63  }
0x3f: {  	_ =	swait.ge [sflag:s23], $0x4000  }
0x40: {  	[sflag:s23] =	ssyncset.done $0x0  }
.Ltmp0:
0x41: {  	s31 =	sadd.s32 $0x13D00, s30;
	[sflag:s23] =	ssyncadd.s32 $0xFFFFC000;
	(pc) =	sbr.rel @p0 .LBB2_3-.Ltmp0, $4  }
0x42: {  	[tilespmem:s18], [sflag:$0x1] =	stream.indirect.gather [hbm4b:s4+s17], $0x80, s31, s17, $0xb8;
	[tilespmem:$0x1E400] =	vst v63  }
0x43: {  	_ =	swait.ge [sflag:s24], $0x4000  }
0x44: {  	[sflag:s24] =	ssyncset.done $0x0  }
0x45: {  	s30 =	sadd.s32 $0x13D80, s30;
	[sflag:s24] =	ssyncadd.s32 $0xFFFFC000  }
0x46: {  	[tilespmem:s20], [sflag:$0x2] =	stream.indirect.gather [hbm4b:s4+s17], $0x80, s30, s17, $0xb8;
	[tilespmem:$0x1E400] =	vst v63  }
0x47: {  	_ =	swait.ge [sflag:s21], $0x4000  }
0x48: {  	[sflag:s21] =	ssyncset.done $0x0  }
0x49: {  	[sflag:s21] =	ssyncadd.s32 $0xFFFFC000  }
0x4a: {  	[spmem:s2] =	stream.indirect.scatter.add.f32 [tilespmem:s18], [sflag:$0x3], $0x80, s25, s17, $0xb8;
	[tilespmem:$0x1E400] =	vst v63  }
0x4b: {  	_ =	swait.ge [sflag:s22], $0x4000  }
0x4c: {  	[sflag:s22] =	ssyncset.done $0x0  }
0x4d: {  	s28 =	sadd.s32 $0x1, s28;
	[sflag:s22] =	ssyncadd.s32 $0xFFFFC000  }
0x4e: {  	[spmem:s2] =	stream.indirect.scatter.add.f32 [tilespmem:s20], [sflag:$0x4], $0x80, s26, s17, $0xb8;
	[tilespmem:$0x1E400] =	vst v63  }
0x4f: {  	p0 =	sne.s32 s28, $0x4;
	_ =	swait.ge [sflag:s23], $0x4000  }
.Ltmp1:
0x50: {  	[sflag:s23] =	ssyncset.done $0x0;
	(pc) =	sbr.rel @p0 .LBB2_2-.Ltmp1, $4  }
0x51: {  	[sflag:s23] =	ssyncadd.s32 $0xFFFFC000  }
0x52: {  	_ =	swait.ge [sflag:s24], $0x4000  }
0x53: {  	[sflag:s24] =	ssyncset.done $0x0  }
0x54: {  	[sflag:s24] =	ssyncadd.s32 $0xFFFFC000  }
0x55: {  	s3 =	sadd.s32 $0x1, s3  }
0x56: {  	p0 =	sne.s32 s3, s12  }
.Ltmp2:
0x57: {  	[bflag:$0x0] =	sbarrier.arrive $0xFFFF;
	(pc) =	sbr.rel @p0 .LBB2_1-.Ltmp2, $4  }
0x58: {  	[hbm:s11], [sflag:s9] =	dma.local [spmem:s13], $0x2780  }
0x59: {  	_ =	swait.ge [sflag:s14], $0x2780  }
0x5a: {  	[sflag:s14] =	ssyncset.done $0x0  }
0x5b: {  	[sflag:s14] =	ssyncadd.s32 $0xFFFFD880  }
0x5c: {  	_ =	sfence.sel $0x180000  }
0x5d: {  	[bflag:$0x0] =	sbarrier.arrive $0xFFFF  }
0x5e: {  	p0 =	sne.s32 s1, $0x0;
	_ =	strace $0x9000004D  }
0x5f: {  	s0 =	sadd.s32 @!p0 $0x100000, s0;
	[bflag:$0x2] =	sbarrier.arrive $0xFFFF  }
0x60: {  	[sflag:s0] =	ssyncadd.tile.s32 @!p0 $0x1;
	_ =	shalt  }
.Lfunc_end2:
_tile_overlayer_lowered:
.L_overlay_start_2:
0x61: {  	(tag) =	ssettag $0x2  }
0x62: {  	s0 =	rddreg [dreg:$0x0];
	s2 =	stileid.u32  }
0x63: {  	s1 =	rddreg [dreg:$0x1];
	p0 =	sne.s32 s2, $0x0  }
0x64: {  	s3 =	rddreg [dreg:$0x2];
	[bflag:$0x3] =	sbarrier.arrive $0xFFFF;
	s2 =	simm.s32 @!p0 $0x1C05  }
0x65: {  	[timem:s3], [sflag:s2] =	dma.local @!p0 [hbm:s0], s1  }
0x66: {  	s0 =	simm.s32 @!p0 $0x5  }
0x67: {  	_ =	swait.ge @!p0 [sflag:s0], s1  }
0x68: {  	s1 =	ssub.s32 @!p0 $0x0, s1;
	[sflag:s0] =	ssyncset.done @!p0 $0x0  }
0x69: {  	[sflag:s0] =	ssyncadd.s32 @!p0 s1  }
0x6a: {  	[bflag:$0x3] =	sbarrier.arrive $0xFFFF  }
0x6b: {  	_ =	shalt  }

// kernel: kernel.20.cloned.1.call-start
scs
__scs_entry_jumppad:
0x0: {  	(pc) =	sbr.rel $0x88, $3  }
0x1: {  	(tag) =	ssettag $0x0;
	lr =	simm.s32 $0x1  }
0x2: {  	[smem:$0x3F8D] =	sst lr;
	_ =	strace $0xD0000000  }
0x3: {  	_ = 	snop  }
0x4: {  	_ = 	snop  }
0x5: {  	_ = 	snop  }
0x6: {  	_ = 	snop  }
0x7: {  	_ = 	snop  }
__scs_overlays_trampoline_lowered:
0x8: {  	[smem:$0x3F9C] =	sst s0  }
0x9: {  	[smem:$0x3F9D] =	sst s1  }
0xa: {  	[smem:$0x3F9E] =	sst s2  }
0xb: {  	[smem:$0x3F9F] =	sst s3  }
0xc: {  	[smem:$0x3FA0] =	sst s4  }
0xd: {  	[smem:$0x3FA1] =	sst s5  }
0xe: {  	[smem:$0x3FA2] =	sst s6  }
0xf: {  	[smem:$0x3FA3] =	sst s7  }
0x10: {  	[smem:$0x3FA4] =	sst s8  }
0x11: {  	[smem:$0x3FA5] =	sst s9;
	s0 =	simm.s32 @!p0 $0x0  }
0x12: {  	s1 =	sld [smem:$0x3F8B];
	s0 =	simm.s32 @p0 $0x1  }
0x13: {  	[smem:$0x3FA6] =	sst s0;
	s0 =	simm.s32 @!p1 $0x0  }
0x14: {  	s2 =	sld [smem:$0x3F8A];
	s0 =	simm.s32 @p1 $0x1  }
0x15: {  	[smem:$0x3FA7] =	sst s0;
	s0 =	simm.s32 @!p2 $0x0  }
0x16: {  	s3 =	sld [smem:$0x3FDB];
	s0 =	simm.s32 @p2 $0x1  }
0x17: {  	s4 =	simm.s32 $0x1BF5;
	[smem:$0x3FA9] =	sst s0  }
0x18: {  	s0 =	sld [smem:$0x3F8C];
	_ =	swait.ge [sflag:s4], $0x0  }
0x19: {  	s7 =	sld [smem:$0x3F8D]  }
0x1a: {  	s8 =	sadd.s32 $0xFFFFE003, lr  }
0x1b: {  	s9 =	sadd.s32 $0xFFFFFEF7, lr;
	s5 =	simm.s32 $0xFFFFFFFF;
	p2 =	slt.u32 s8, $0xFFFFF086  }
0x1c: {  	p1 =	slt.u32 s9, $0xF7A;
	s5 =	simm.s32 @!p2 $0x0  }
0x1d: {  	s5 =	simm.s32 @p1 $0x1;
	p0 =	seq.s32 s7, s2  }
0x1e: {  	s7 =	smul.u32 @!p0 $0xF7A, s2;
	p2 =	seq.s32 @!p0 s5, $0x0  }
0x1f: {  	s9 =	smul.u32 $0xF7A, s1;
	s8 =	simm.s32 @!p0 $0x1BF5;
	p2 =	por !p2, p0  }
0x20: {  	[sflag:s8] =	ssyncset.s32 @!p0 $0xFFFFF086;
	s6 =	sadd.s32 @!p0 s3, s7;
	s7 =	simm.s32 @!p0 $0x108  }
0x21: {  	s3 =	sadd.s32 s3, s9;
	s6 =	sadd.s32 @!p0 $0x88, s6;
	s7 =	simm.s32 @p2 $0x1082  }
0x22: {  	[simem:s7], [sflag:s8] =	dma.local @!p0 [hbm:s6], $0xF7A  }
0x23: {  	s9 =	sor.u32 $0xD0000000, s2;
	s6 =	simm.s32 $0x108;
	_ =	swait.ge @!p0 [sflag:s8], $0x0  }
0x24: {  	s3 =	sadd.s32 $0x88, s3;
	s6 =	simm.s32 @!p1 $0x1082;
	[sflag:s4] =	ssyncset.s32 $0xFFFFF086  }
0x25: {  	[simem:s6], [sflag:s4] =	dma.local [hbm:s3], $0xF7A  }
0x26: {  	[smem:$0x3F8D] =	sst s1;
	(tag) =	ssettag s2;
	_ =	strace s9  }
0x27: {  	s1 =	sld [smem:$0x3F9D]  }
0x28: {  	s2 =	sld [smem:$0x3F9E]  }
0x29: {  	s4 =	sld [smem:$0x3FA0]  }
0x2a: {  	p0 =	seq.s32 s5, $0x0;
	s5 =	sld [smem:$0x3FA1]  }
0x2b: {  	s6 =	sld [smem:$0x3FA2]  }
0x2c: {  	s7 =	sld [smem:$0x3FA3]  }
0x2d: {  	s3 =	simm.s32 $0x108;
	s8 =	sld [smem:$0x3FA4]  }
0x2e: {  	s3 =	simm.s32 @!p0 $0x1082;
	s9 =	sld [smem:$0x3FA5]  }
0x2f: {  	lr =	sadd.s32 s0, s3;
	s0 =	sld [smem:$0x3F9C]  }
0x30: {  	s3 =	sld [smem:$0x3F9F]  }
0x31: {  	[smem:$0x3FA8] =	sst s10  }
0x32: {  	s10 =	sld [smem:$0x3FA6];
	_ =	sdelay $0x3  }
0x33: {  	p0 =	seq.s32 s10, $0x1;
	s10 =	sld [smem:$0x3FA8];
	_ =	sdelay $0x3  }
0x34: {  	[smem:$0x3FA8] =	sst s10  }
0x35: {  	s10 =	sld [smem:$0x3FA7];
	_ =	sdelay $0x3  }
0x36: {  	p1 =	seq.s32 s10, $0x1;
	s10 =	sld [smem:$0x3FA8];
	_ =	sdelay $0x3  }
0x37: {  	[smem:$0x3FA8] =	sst s10  }
0x38: {  	s10 =	sld [smem:$0x3FA9]  }
0x39: {  	_ = 	snop;
	(pc) =	sbr.ind lr, $3  }
0x3a: {  	_ = 	snop  }
0x3b: {  	_ = 	snop  }
0x3c: {  	p2 =	seq.s32 s10, $0x1;
	s10 =	sld [smem:$0x3FA8]  }
0x3d: {  	_ =	shalt  }
0x3e: {  	_ =	shalt  }
0x3f: {  	_ =	shalt  }
0x40: {  	_ =	shalt  }
0x41: {  	_ =	shalt  }
0x42: {  	_ =	shalt  }
0x43: {  	_ =	shalt  }
0x44: {  	_ =	shalt  }
0x45: {  	_ =	shalt  }
0x46: {  	_ =	shalt  }
0x47: {  	_ =	shalt  }
0x48: {  	_ =	shalt  }
0x49: {  	_ =	shalt  }
0x4a: {  	_ =	shalt  }
0x4b: {  	_ =	shalt  }
0x4c: {  	_ =	shalt  }
0x4d: {  	_ =	shalt  }
0x4e: {  	_ =	shalt  }
0x4f: {  	_ =	shalt  }
0x50: {  	_ =	shalt  }
0x51: {  	_ =	shalt  }
0x52: {  	_ =	shalt  }
0x53: {  	_ =	shalt  }
0x54: {  	_ =	shalt  }
0x55: {  	_ =	shalt  }
0x56: {  	_ =	shalt  }
0x57: {  	_ =	shalt  }
0x58: {  	_ =	shalt  }
0x59: {  	_ =	shalt  }
0x5a: {  	_ =	shalt  }
0x5b: {  	_ =	shalt  }
0x5c: {  	_ =	shalt  }
0x5d: {  	_ =	shalt  }
0x5e: {  	_ =	shalt  }
0x5f: {  	_ =	shalt  }
0x60: {  	_ =	shalt  }
0x61: {  	_ =	shalt  }
0x62: {  	_ =	shalt  }
0x63: {  	_ =	shalt  }
0x64: {  	_ =	shalt  }
0x65: {  	_ =	shalt  }
0x66: {  	_ =	shalt  }
0x67: {  	_ =	shalt  }
0x68: {  	_ =	shalt  }
0x69: {  	_ =	shalt  }
0x6a: {  	_ =	shalt  }
0x6b: {  	_ =	shalt  }
0x6c: {  	_ =	shalt  }
0x6d: {  	_ =	shalt  }
0x6e: {  	_ =	shalt  }
0x6f: {  	_ =	shalt  }
0x70: {  	_ =	shalt  }
0x71: {  	_ =	shalt  }
0x72: {  	_ =	shalt  }
0x73: {  	_ =	shalt  }
0x74: {  	_ =	shalt  }
0x75: {  	_ =	shalt  }
0x76: {  	_ =	shalt  }
0x77: {  	_ =	shalt  }
0x78: {  	_ =	shalt  }
0x79: {  	_ =	shalt  }
0x7a: {  	_ =	shalt  }
0x7b: {  	_ =	shalt  }
0x7c: {  	_ =	shalt  }
0x7d: {  	_ =	shalt  }
0x7e: {  	_ =	shalt  }
0x7f: {  	_ =	shalt  }
0x80: {  	_ =	shalt  }
0x81: {  	_ =	shalt  }
0x82: {  	_ =	shalt  }
0x83: {  	_ =	shalt  }
0x84: {  	_ =	shalt  }
0x85: {  	_ =	shalt  }
0x86: {  	_ =	shalt  }
0x87: {  	_ =	shalt  }
.Lfunc_end0:
.L_simem_size_0:
called_computation.3_lowered:
.L_overlay_start_0:
0x88: {  	s2 =	sld [smem:$0x3FD9]  }
0x89: {  	s3 =	sld [smem:$0x3FFE];
	_ =	sdelay $0x1  }
0x8a: {  	s1 =	srdreg.scid  }
0x8b: {  	s0 =	sand.u32 $0x1, s1  }
0x8c: {  	s16 =	sshll.u32 s0, $0xA;
	s2 =	sadd.s32 s3, s2  }
0x8d: {  	s2 =	sadd.s32 s2, s16  }
0x8e: {  	[smem:$0x3FB4] =	sst s2  }
0x8f: {  	_ = 	snop  }
0x90: {  	(tm) =	ssettm $0x1  }
0x91: {  	s17 =	sld [smem:$0x3FFB];
	_ =	sdelay $0x3  }
0x92: {  	_ =	strace s17  }
0x93: {  	s2 =	sld [smem:$0x3FFC];
	_ =	sdelay $0x3  }
0x94: {  	_ =	strace s2  }
0x95: {  	s2 =	sld [smem:$0x3FFD];
	_ =	sdelay $0x3  }
0x96: {  	_ =	strace s2  }
0x97: {  	_ =	strace $0x8FFFFFFF  }
0x98: {  	s18 =	sld [smem:$0x3FDB];
	_ =	sdelay $0x1  }
0x99: {  	s19 =	simm.s32 $_scs_section_size  }
0x9a: {  	s4 =	simm.s32 $_size__tile_overlayer_lowered;
	s5 =	simm.s32 $_tile_overlayer_lowered  }
0x9b: {  	s22 =	simm.s32 $0x1BFF;
	s21 =	sshll.u32 s5, $0x1;
	s2 =	sadd.s32 s19, s18  }
0x9c: {  	s6 =	simm.s32 $0x0;
	s20 =	sshll.u32 s4, $0x1;
	s4 =	sadd.s32 s21, s2  }
0x9d: {  	[timem:s6], [sflag:s22] =	dma.local [hbm:s4], s20  }
0x9e: {  	_ =	swait.ge [sflag:s22], s20  }
0x9f: {  	s3 =	ssub.s32 $0x0, s20;
	[sflag:s22] =	ssyncset.done $0x0  }
0xa0: {  	[sflag:s22] =	ssyncadd.s32 s3;
	_ =	sdelay $0x1  }
0xa1: {  	s23 =	simm.s32 $0x1B8B  }
0xa2: {  	_ =	swait.ge [sflag:s23], $0x1  }
0xa3: {  	[sflag:s23] =	ssyncset.done $0x0  }
0xa4: {  	s25 =	simm.s32 $0x1B8E;
	s24 =	sld [smem:$0x3FFE];
	[sflag:s23] =	ssyncadd.s32 $0xFFFFFFFF  }
0xa5: {  	s26 =	simm.s32 $execute0_lowered;
	[smem:$0x3FD2] =	sst s25  }
0xa6: {  	s4 =	sshll.u32 s26, $0x1;
	_ =	strace $0x8000004F;
	[dreg:$0x1] =	wrdreg $0xFFFFFFFF  }
0xa7: {  	s28 =	simm.s32 $_size_execute0_lowered;
	s2 =	sadd.s32 s2, s4;
	[dreg:$0x0] =	wrdreg $0x0  }
0xa8: {  	s4 =	sshll.u32 s28, $0x1;
	[dreg:$0x2] =	wrdreg s2  }
0xa9: {  	[dreg:$0x3] =	wrdreg s4  }
0xaa: {  	[dreg:$0x4] =	wrdreg $0xC0  }
0xab: {  	_ =	task [dreg:s6], $0x5FFFF  }
0xac: {  	[dreg:$0x1] =	wrdreg $0xFFFFFFFF  }
0xad: {  	[dreg:$0x0] =	wrdreg $0x60  }
0xae: {  	[dreg:$0x2] =	wrdreg s24  }
0xaf: {  	[dreg:$0x3] =	wrdreg $0x0  }
0xb0: {  	[dreg:$0x4] =	wrdreg $0x9  }
0xb1: {  	_ =	task.clear_ibuf [dreg:s6], $0x5FFFF;
	_ =	strace $0x9000004F  }
0xb2: {  	s29 =	simm.s32 $0x9;
	_ =	strace $0x80000051  }
0xb3: {  	_ =	swait.ge [sflag:s29], $0x1  }
0xb4: {  	[sflag:s29] =	ssyncadd.s32 $0xFFFFFFFF  }
0xb5: {  	_ =	strace $0x90000051  }
0xb6: {  	_ =	sfence  }
0xb7: {  	s30 =	sld [smem:$0x0];
	_ =	sdelay $0x2  }
0xb8: {  	s31 =	sshll.u32 s1, $0xD;
	s1 =	sshrl.u32 s1, $0x2  }
0xb9: {  	s3 =	sand.u32 $0x4000, s31;
	s1 =	sadd.s32 s1, s30  }
0xba: {  	s0 =	sor.u32 s3, s0;
	s1 =	sshll.u32 s1, $0x11  }
0xbb: {  	s0 =	sor.u32 s1, s0  }
0xbc: {  	s0 =	sadd.s32 $0x8F2B, s0  }
0xbd: {  	[sflag:s0] =	ssyncadd.remote.s32 $0x1  }
0xbe: {  	_ =	sfence.sel $0xFFFF  }
0xbf: {  	[dreg:$0x0] =	wrdreg $0xFFFFFFFF;
	(pc) =	sbr.abs _section_cstart, $3  }
0xc0: {  	[dreg:$0x1] =	wrdreg $0xFFFFFFFF  }
0xc1: {  	_ =	task.clear_ibuf [dreg:s6], $0x2FFFF;
	_ =	strace $0x9FFFFFFF  }
0xc2: {  	(tm) =	ssettm $0x7FFFFFFF  }
0xc3: {  	_ =	shalt  }
tec
execute0_lowered:
.L_overlay_start_1:
0x0: {  	(tag) =	ssettag $0x1  }
0x1: {  	s7 =	rddreg [dreg:$0x0]  }
0x2: {  	s2 =	rddreg [dreg:$0x1]  }
0x3: {  	s0 =	rddreg [dreg:$0x2];
	s1 =	stileid.u32  }
0x4: {  	s4 =	srdreg.scid;
	s3 =	simm.s32 $0x0;
	s15 =	simm.s32 $0x13C00  }
0x5: {  	s16 =	simm.s32 $0x15000;
	s17 =	simm.s32 $0x80;
	s18 =	simm.s32 $0x16400  }
0x6: {  	s19 =	simm.s32 $0x13C80;
	s20 =	simm.s32 $0x1A400;
	s21 =	simm.s32 $0x1  }
0x7: {  	s22 =	simm.s32 $0x2;
	s23 =	simm.s32 $0x3;
	s24 =	simm.s32 $0x4  }
0x8: {  	s25 =	simm.s32 $0x16300;
	s26 =	simm.s32 $0x16380;
	s8 =	smul.u32 $0x2780, s1  }
0x9: {  	s9 =	sand.u32 $0x1, s4;
	[smem:$0x7FF] =	sst s3;
	s4 =	sadd.s32 $0x98A00, s7  }
0xa: {  	s5 =	sadd.s32 $0x84A00, s7;
	s6 =	sadd.s32 $0x4200, s7;
	s11 =	smul.u32 $0x4F000, s1  }
0xb: {  	s31 =	sshll.u32 s1, $0x6;
	s10 =	smul.u32 $0x27800, s9;
	s29 =	ssub.s32 $0x2, s9  }
0xc: {  	_ =	strace $0x80000050;
	s9 =	sshll.u32 s9, $0x4;
	s30 =	sshrl.u32 s29, $0x1  }
0xd: {  	s11 =	sshrl.u32 s11, $0x2;
	s9 =	sor.u32 s1, s9;
	s10 =	sadd.s32 s8, s10  }
0xe: {  	s8 =	sadd.s32 s8, s7;
	s13 =	ssub.s32 s29, s30;
	s14 =	sadd.s32 s11, s2  }
0xf: {  	s12 =	sadd.s32 s10, s7;
	s7 =	sadd.s32 $0xE200, s8;
	s8 =	smul.u32 $0xA0, s9  }
0x10: {  	s9 =	sor.u32 $0x1C05, s31;
	s10 =	smul.u32 $0xA0, s1;
	s11 =	sadd.s32 $0xE6C00, s12  }
0x11: {  	s12 =	smax.u32 s13, $0x1;
	s13 =	sshrl.u32 s14, $0x3;
	s14 =	simm.s32 $0x5  }
.LBB2_1:
0x12: {  	[spmem:s13], [sflag:s9] =	dma.local [hbm:s7], $0x2780  }
0x13: {  	_ =	swait.ge [sflag:s14], $0x2780  }
0x14: {  	[sflag:s14] =	ssyncset.done $0x0  }
0x15: {  	[sflag:s14] =	ssyncadd.s32 $0xFFFFD880  }
0x16: {  	s28 =	simm.s32 $0x0;
	[bflag:$0x0] =	sbarrier.arrive $0xFFFF  }
.LBB2_2:
0x17: {  	s29 =	smul.u32 $0x28, s28;
	_ =	sdelay $0x1  }
0x18: {  	s30 =	sadd.s32 s8, s29  }
0x19: {  	s30 =	sshll.u32 s30, $0x4  }
0x1a: {  	s31 =	simm.s32 $0x0;
	s30 =	sadd.s32 s5, s30  }
0x1b: {  	[tilespmem:s15], [sflag:$0x5] =	stream.linear.gather [hbm4b:s30+s31], $0x1400, $0x38;
	[tilespmem:$0x1E400] =	vst v63  }
0x1c: {  	s29 =	sadd.s32 s10, s29;
	_ =	swait.ge [sflag:s14], $0x1400  }
0x1d: {  	s29 =	sshll.u32 s29, $0x4;
	[sflag:s14] =	ssyncset.done $0x0  }
0x1e: {  	s29 =	sadd.s32 s6, s29;
	[sflag:s14] =	ssyncadd.s32 $0xFFFFEC00  }
0x1f: {  	[tilespmem:s16], [sflag:$0x5] =	stream.linear.gather [hbm4b:s29+s31], $0x1400, $0x38;
	[tilespmem:$0x1E400] =	vst v63  }
0x20: {  	_ =	swait.ge [sflag:s14], $0x1400  }
0x21: {  	[sflag:s14] =	ssyncset.done $0x0  }
0x22: {  	[sflag:s14] =	ssyncadd.s32 $0xFFFFEC00  }
0x23: {  	[tilespmem:s18], [sflag:$0x1] =	stream.indirect.gather [hbm4b:s4+s17], $0x80, s15, s17, $0xb8;
	[tilespmem:$0x1E400] =	vst v63  }
0x24: {  	_ = 	snop  }
0x25: {  	[tilespmem:s20], [sflag:$0x2] =	stream.indirect.gather [hbm4b:s4+s17], $0x80, s19, s17, $0xb8;
	[tilespmem:$0x1E400] =	vst v63  }
0x26: {  	_ =	swait.ge [sflag:s21], $0x4000  }
0x27: {  	[sflag:s21] =	ssyncset.done $0x0  }
0x28: {  	s29 =	simm.s32 $0x15000;
	[sflag:s21] =	ssyncadd.s32 $0xFFFFC000  }
0x29: {  	[spmem:s2] =	stream.indirect.scatter.add.f32 [tilespmem:s18], [sflag:$0x3], $0x80, s29, s17, $0xb8;
	[tilespmem:$0x1E400] =	vst v63  }
0x2a: {  	_ =	swait.ge [sflag:s22], $0x4000  }
0x2b: {  	[sflag:s22] =	ssyncset.done $0x0  }
0x2c: {  	s29 =	simm.s32 $0x15080;
	[sflag:s22] =	ssyncadd.s32 $0xFFFFC000  }
0x2d: {  	[spmem:s2] =	stream.indirect.scatter.add.f32 [tilespmem:s20], [sflag:$0x4], $0x80, s29, s17, $0xb8;
	[tilespmem:$0x1E400] =	vst v63  }
0x2e: {  	_ =	swait.ge [sflag:s23], $0x4000  }
0x2f: {  	[sflag:s23] =	ssyncset.done $0x0  }
0x30: {  	s29 =	simm.s32 $0x13D00;
	[sflag:s23] =	ssyncadd.s32 $0xFFFFC000  }
0x31: {  	[tilespmem:s18], [sflag:$0x1] =	stream.indirect.gather [hbm4b:s4+s17], $0x80, s29, s17, $0xb8;
	[tilespmem:$0x1E400] =	vst v63  }
0x32: {  	_ =	swait.ge [sflag:s24], $0x4000  }
0x33: {  	[sflag:s24] =	ssyncset.done $0x0  }
0x34: {  	s30 =	simm.s32 $0x13D80;
	s29 =	simm.s32 $0x400;
	[sflag:s24] =	ssyncadd.s32 $0xFFFFC000  }
.LBB2_3:
0x35: {  	[tilespmem:s20], [sflag:$0x2] =	stream.indirect.gather [hbm4b:s4+s17], $0x80, s30, s17, $0xb8;
	[tilespmem:$0x1E400] =	vst v63  }
0x36: {  	s30 =	smov.u32 s29  }
0x37: {  	p0 =	sne.s32 s29, $0x4800;
	s29 =	sadd.s32 $0x400, s29;
	_ =	swait.ge [sflag:s21], $0x4000  }
0x38: {  	s30 =	sshra.s32 s30, $0x2;
	[sflag:s21] =	ssyncset.done $0x0  }
0x39: {  	s31 =	sadd.s32 $0x15000, s30;
	[sflag:s21] =	ssyncadd.s32 $0xFFFFC000  }
0x3a: {  	[spmem:s2] =	stream.indirect.scatter.add.f32 [tilespmem:s18], [sflag:$0x3], $0x80, s31, s17, $0xb8;
	[tilespmem:$0x1E400] =	vst v63  }
0x3b: {  	_ =	swait.ge [sflag:s22], $0x4000  }
0x3c: {  	[sflag:s22] =	ssyncset.done $0x0  }
0x3d: {  	s31 =	sadd.s32 $0x15080, s30;
	[sflag:s22] =	ssyncadd.s32 $0xFFFFC000  }
0x3e: {  	[spmem:s2] =	stream.indirect.scatter.add.f32 [tilespmem:s20], [sflag:$0x4], $0x80, s31, s17, $0xb8;
	[tilespmem:$0x1E400] =	vst v63  }
0x3f: {  	_ =	swait.ge [sflag:s23], $0x4000  }
0x40: {  	[sflag:s23] =	ssyncset.done $0x0  }
.Ltmp0:
0x41: {  	s31 =	sadd.s32 $0x13D00, s30;
	[sflag:s23] =	ssyncadd.s32 $0xFFFFC000;
	(pc) =	sbr.rel @p0 .LBB2_3-.Ltmp0, $4  }
0x42: {  	[tilespmem:s18], [sflag:$0x1] =	stream.indirect.gather [hbm4b:s4+s17], $0x80, s31, s17, $0xb8;
	[tilespmem:$0x1E400] =	vst v63  }
0x43: {  	_ =	swait.ge [sflag:s24], $0x4000  }
0x44: {  	[sflag:s24] =	ssyncset.done $0x0  }
0x45: {  	s30 =	sadd.s32 $0x13D80, s30;
	[sflag:s24] =	ssyncadd.s32 $0xFFFFC000  }
0x46: {  	[tilespmem:s20], [sflag:$0x2] =	stream.indirect.gather [hbm4b:s4+s17], $0x80, s30, s17, $0xb8;
	[tilespmem:$0x1E400] =	vst v63  }
0x47: {  	_ =	swait.ge [sflag:s21], $0x4000  }
0x48: {  	[sflag:s21] =	ssyncset.done $0x0  }
0x49: {  	[sflag:s21] =	ssyncadd.s32 $0xFFFFC000  }
0x4a: {  	[spmem:s2] =	stream.indirect.scatter.add.f32 [tilespmem:s18], [sflag:$0x3], $0x80, s25, s17, $0xb8;
	[tilespmem:$0x1E400] =	vst v63  }
0x4b: {  	_ =	swait.ge [sflag:s22], $0x4000  }
0x4c: {  	[sflag:s22] =	ssyncset.done $0x0  }
0x4d: {  	s28 =	sadd.s32 $0x1, s28;
	[sflag:s22] =	ssyncadd.s32 $0xFFFFC000  }
0x4e: {  	[spmem:s2] =	stream.indirect.scatter.add.f32 [tilespmem:s20], [sflag:$0x4], $0x80, s26, s17, $0xb8;
	[tilespmem:$0x1E400] =	vst v63  }
0x4f: {  	p0 =	sne.s32 s28, $0x4;
	_ =	swait.ge [sflag:s23], $0x4000  }
.Ltmp1:
0x50: {  	[sflag:s23] =	ssyncset.done $0x0;
	(pc) =	sbr.rel @p0 .LBB2_2-.Ltmp1, $4  }
0x51: {  	[sflag:s23] =	ssyncadd.s32 $0xFFFFC000  }
0x52: {  	_ =	swait.ge [sflag:s24], $0x4000  }
0x53: {  	[sflag:s24] =	ssyncset.done $0x0  }
0x54: {  	[sflag:s24] =	ssyncadd.s32 $0xFFFFC000  }
0x55: {  	s3 =	sadd.s32 $0x1, s3  }
0x56: {  	p0 =	sne.s32 s3, s12  }
.Ltmp2:
0x57: {  	[bflag:$0x0] =	sbarrier.arrive $0xFFFF;
	(pc) =	sbr.rel @p0 .LBB2_1-.Ltmp2, $4  }
0x58: {  	[hbm:s11], [sflag:s9] =	dma.local [spmem:s13], $0x2780  }
0x59: {  	_ =	swait.ge [sflag:s14], $0x2780  }
0x5a: {  	[sflag:s14] =	ssyncset.done $0x0  }
0x5b: {  	[sflag:s14] =	ssyncadd.s32 $0xFFFFD880  }
0x5c: {  	_ =	sfence.sel $0x180000  }
0x5d: {  	[bflag:$0x0] =	sbarrier.arrive $0xFFFF  }
0x5e: {  	p0 =	sne.s32 s1, $0x0;
	_ =	strace $0x90000050  }
0x5f: {  	s0 =	sadd.s32 @!p0 $0x100000, s0;
	[bflag:$0x2] =	sbarrier.arrive $0xFFFF  }
0x60: {  	[sflag:s0] =	ssyncadd.tile.s32 @!p0 $0x1;
	_ =	shalt  }
.Lfunc_end2:
_tile_overlayer_lowered:
.L_overlay_start_2:
0x61: {  	(tag) =	ssettag $0x2  }
0x62: {  	s0 =	rddreg [dreg:$0x0];
	s2 =	stileid.u32  }
0x63: {  	s1 =	rddreg [dreg:$0x1];
	p0 =	sne.s32 s2, $0x0  }
0x64: {  	s3 =	rddreg [dreg:$0x2];
	[bflag:$0x3] =	sbarrier.arrive $0xFFFF;
	s2 =	simm.s32 @!p0 $0x1C05  }
0x65: {  	[timem:s3], [sflag:s2] =	dma.local @!p0 [hbm:s0], s1  }
0x66: {  	s0 =	simm.s32 @!p0 $0x5  }
0x67: {  	_ =	swait.ge @!p0 [sflag:s0], s1  }
0x68: {  	s1 =	ssub.s32 @!p0 $0x0, s1;
	[sflag:s0] =	ssyncset.done @!p0 $0x0  }
0x69: {  	[sflag:s0] =	ssyncadd.s32 @!p0 s1  }
0x6a: {  	[bflag:$0x3] =	sbarrier.arrive $0xFFFF  }
0x6b: {  	_ =	shalt  }

</sc_bundles>
